<compile_context>
chip_gen: v7x
topology: tpu7x:2x2x1
jax: 0.10.2.dev20260603
libtpu: 0.0.44.dev20260713+nightly
codegen_flags: <defaults>
</compile_context>

<pallas_src>
import functools

import jax
import jax.numpy as jnp
from jax import lax
from jax.experimental import pallas as pl
from jax.experimental.pallas import tpu as pltpu
from jax.experimental.pallas import tpu_sc as plsc

_LANES = 16


def _gather_kernel(B, D, NC, NW, b_per_w):
    mesh = plsc.VectorSubcoreMesh(core_axis_name="c", subcore_axis_name="s")
    n_groups = b_per_w // _LANES

    @functools.partial(
        pl.kernel,
        mesh=mesh,
        out_type=jax.ShapeDtypeStruct((B, D), jnp.float32),
        scratch_types=[
            pltpu.VMEM((b_per_w,), jnp.int32),
            pltpu.VMEM((b_per_w, D), jnp.float32),
            pltpu.SemaphoreType.DMA,
            pltpu.SemaphoreType.DMA,
            pltpu.SemaphoreType.DMA,
            pltpu.SemaphoreType.DMA,
        ],
    )
    def k(idx_hbm, table_hbm, out_hbm, idx_v, rows_v, s0, s1, s2, s3):
        wid = lax.axis_index("s") * NC + lax.axis_index("c")
        sems = (s0, s1, s2, s3)
        pltpu.sync_copy(idx_hbm.at[wid], idx_v)

        def group(g, carry):
            vec = idx_v[pl.ds(g * _LANES, _LANES)]
            for j in range(_LANES):
                r = vec[j]
                pltpu.async_copy(
                    table_hbm.at[r], rows_v.at[g * _LANES + j], sems[j % 4]
                )
            return carry

        lax.fori_loop(0, n_groups, group, 0)
        q = b_per_w // 4
        for i, s in enumerate(sems):
            pltpu.make_async_copy(
                table_hbm.at[pl.ds(0, q)], rows_v.at[pl.ds(i * q, q)], s
            ).wait()
        pltpu.sync_copy(rows_v, out_hbm.at[pl.ds(wid * b_per_w, b_per_w)])

    return k


def kernel(indices, autodecoder_embeddings):
    (B,) = indices.shape
    V, D = autodecoder_embeddings.shape
    info = plsc.get_sparse_core_info()
    NC, NS = info.num_cores, info.num_subcores
    NW = NC * NS
    b_per_w = B // NW
    idx2d = indices.astype(jnp.int32).reshape(NW, b_per_w)
    k = _gather_kernel(B, D, NC, NW, b_per_w)
    return k(idx2d, autodecoder_embeddings)

# --- scband reference (transcript-rebuilt; emitter-appended) ---
"""Pipeline reference for scband-auto-decoder-module-mixin-37452114821829 (READ-ONLY COPY).

The authoritative reference and input builder live on the scoring server;
editing this copy changes nothing except your own understanding.
"""

import jax, jax.numpy as jnp
import numpy as np

NUM_EMBEDDINGS = 1000000
N_LATENT = 64
INIT_STD = 0.01
BATCH = 16384


def setup_inputs(seed: int = 0) -> dict:
    key = jax.random.key(seed)
    k_idx, k_emb = jax.random.split(key)
    indices = jax.random.randint(k_idx, (BATCH,), 0, NUM_EMBEDDINGS, dtype=jnp.int64 if jax.config.jax_enable_x64 else jnp.int32)
    # Learned auto-decoder embedding table, initialized N(0, init_std) as in DeepSDF
    autodecoder_embeddings = jax.random.normal(k_emb, (NUM_EMBEDDINGS, N_LATENT), dtype=jnp.float32) * INIT_STD
    return {"indices": indices, "autodecoder_embeddings": autodecoder_embeddings}


def reference(indices, autodecoder_embeddings):
    # AutoDecoderModuleMixin.__getitem__ with a sequence of uids:
    # maps uids -> integer rows, then gathers: self.autodecoder_embeddings[key, :]
    return jnp.take(autodecoder_embeddings, indices, axis=0)

if __name__ == "__main__":
    import jax
    _d = setup_inputs()
    print(jax.jit(kernel)(*tuple(_d.values())))

</pallas_src>

<mosaic_0001>
#map = affine_map<(d0, d1) -> (0, 0)>
module attributes {stable_mosaic.version = 14 : i64} {
  func.func @k(%arg0: i32, %arg1: i32, %arg2: memref<32x512xi32, #tpu.memory_space<hbm>>, %arg3: memref<1000000x64xf32, #tpu.memory_space<hbm>>, %arg4: memref<16384x64xf32, #tpu.memory_space<hbm>>, %arg5: memref<512xi32, #tpu.memory_space<vmem>>, %arg6: memref<512x64xf32, #tpu.memory_space<vmem>>, %arg7: memref<!tpu.dma_semaphore, #tpu.memory_space<semaphore_mem>>, %arg8: memref<!tpu.dma_semaphore, #tpu.memory_space<semaphore_mem>>, %arg9: memref<!tpu.dma_semaphore, #tpu.memory_space<semaphore_mem>>, %arg10: memref<!tpu.dma_semaphore, #tpu.memory_space<semaphore_mem>>) attributes {dimension_semantics = [#tpu.dimension_semantics<core_parallel>, #tpu.dimension_semantics<subcore_parallel>], iteration_bounds = array<i64: 2, 16>, scalar_prefetch = 0 : i64, scratch_operands = 6 : i64, tpu.core_type = #tpu.core_type<sc_vector_subcore>, window_params = [{transform_indices = #map}, {transform_indices = #map}, {transform_indices = #map}]} {
    %mul3A = arith.constant 2 : i32
    %mul3A_0 = arith.muli %arg1, %mul3A : i32
    %add3A = arith.addi %mul3A_0, %arg0 : i32
    "tpu.region"() ({
      %run_scoped3A = tpu.sem_alloc : memref<!tpu.dma_semaphore, #tpu.memory_space<semaphore_mem>>
      %dma_start3A = arith.constant 0 : i32
      %dma_start3A_55 = tpu.memref_slice %arg2[%add3A, %dma_start3A] : memref<32x512xi32, #tpu.memory_space<hbm>> -> memref<1x512xi32, #tpu.memory_space<hbm>>
      %dma_start3A_56 = tpu.memref_squeeze %dma_start3A_55 : memref<1x512xi32, #tpu.memory_space<hbm>> -> memref<512xi32, #tpu.memory_space<hbm>>
      %dma_start3A_57 = arith.constant 0 : i32
      %dma_start3A_58 = tpu.memref_slice %arg2[%add3A, %dma_start3A_57] : memref<32x512xi32, #tpu.memory_space<hbm>> -> memref<1x512xi32, #tpu.memory_space<hbm>>
      %dma_start3A_59 = tpu.memref_squeeze %dma_start3A_58 : memref<1x512xi32, #tpu.memory_space<hbm>> -> memref<512xi32, #tpu.memory_space<hbm>>
      tpu.enqueue_dma source(%dma_start3A_59 : memref<512xi32, #tpu.memory_space<hbm>>) target(%arg5 : memref<512xi32, #tpu.memory_space<vmem>>) target_semaphore(%run_scoped3A : memref<!tpu.dma_semaphore, #tpu.memory_space<semaphore_mem>>)
      %dma_wait3A_60 = arith.constant 0 : i32
      %dma_wait3A_61 = tpu.memref_slice %arg2[%add3A, %dma_wait3A_60] : memref<32x512xi32, #tpu.memory_space<hbm>> -> memref<1x512xi32, #tpu.memory_space<hbm>>
      %dma_wait3A_62 = tpu.memref_squeeze %dma_wait3A_61 : memref<1x512xi32, #tpu.memory_space<hbm>> -> memref<512xi32, #tpu.memory_space<hbm>>
      %dma_wait3A_63 = arith.constant 0 : i32
      %dma_wait3A_64 = tpu.memref_slice %arg2[%add3A, %dma_wait3A_63] : memref<32x512xi32, #tpu.memory_space<hbm>> -> memref<1x512xi32, #tpu.memory_space<hbm>>
      %dma_wait3A_65 = tpu.memref_squeeze %dma_wait3A_64 : memref<1x512xi32, #tpu.memory_space<hbm>> -> memref<512xi32, #tpu.memory_space<hbm>>
      tpu.wait_dma2 semaphore(%run_scoped3A : memref<!tpu.dma_semaphore, #tpu.memory_space<semaphore_mem>>) src(%dma_wait3A_65 : memref<512xi32, #tpu.memory_space<hbm>>) dst(%arg5 : memref<512xi32, #tpu.memory_space<vmem>>)
      tpu.yield
    }) : () -> ()
    %scan3A = arith.constant 0 : i32
    %scan3A_1 = arith.constant 0 : i32
    %scan3A_2 = arith.constant 32 : i32
    %scan3A_3 = arith.addi %scan3A_1, %scan3A_2 : i32
    %scan3A_4 = arith.constant 1 : i32
    scf.for %scan3A_55 = %scan3A_1 to %scan3A_3 step %scan3A_4  : i32 {
      %mul3A_56 = arith.constant 16 : i32
      %mul3A_57 = arith.muli %scan3A_55, %mul3A_56 : i32
      %get3A = arith.index_cast %mul3A_57 : i32 to index
      %get3A_58 = tpu.vector_load %arg5[%get3A] {strides = array<i32>} : memref<512xi32, #tpu.memory_space<vmem>>, vector<16xi32>,
      %get3A_59 = vector.shape_cast %get3A_58 : vector<16xi32> to vector<16xi32>
      %slice3A = vector.extract_strided_slice %get3A_59 {offsets = [0], sizes = [1], strides = [1]} : vector<16xi32> to vector<1xi32>
      %squeeze3A = vector.extract %slice3A[0] : i32 from vector<1xi32>
      %mul3A_60 = arith.constant 16 : i32
      %mul3A_61 = arith.muli %scan3A_55, %mul3A_60 : i32
      %add3A_62 = arith.constant 0 : i32
      %add3A_63 = arith.addi %mul3A_61, %add3A_62 : i32
      %dma_start3A = arith.constant 0 : i32
      %dma_start3A_64 = tpu.memref_slice %arg6[%add3A_63, %dma_start3A] : memref<512x64xf32, #tpu.memory_space<vmem>> -> memref<1x64xf32, #tpu.memory_space<vmem>>
      %dma_start3A_65 = tpu.memref_squeeze %dma_start3A_64 : memref<1x64xf32, #tpu.memory_space<vmem>> -> memref<64xf32, #tpu.memory_space<vmem>>
      %dma_start3A_66 = arith.constant 0 : i32
      %dma_start3A_67 = tpu.memref_slice %arg3[%squeeze3A, %dma_start3A_66] : memref<1000000x64xf32, #tpu.memory_space<hbm>> -> memref<1x64xf32, #tpu.memory_space<hbm>>
      %dma_start3A_68 = tpu.memref_squeeze %dma_start3A_67 : memref<1x64xf32, #tpu.memory_space<hbm>> -> memref<64xf32, #tpu.memory_space<hbm>>
      %dma_start3A_69 = arith.constant 0 : i32
      %dma_start3A_70 = tpu.memref_slice %arg6[%add3A_63, %dma_start3A_69] : memref<512x64xf32, #tpu.memory_space<vmem>> -> memref<1x64xf32, #tpu.memory_space<vmem>>
      %dma_start3A_71 = tpu.memref_squeeze %dma_start3A_70 : memref<1x64xf32, #tpu.memory_space<vmem>> -> memref<64xf32, #tpu.memory_space<vmem>>
      %dma_start3A_72 = arith.constant 0 : i32
      %dma_start3A_73 = tpu.memref_slice %arg3[%squeeze3A, %dma_start3A_72] : memref<1000000x64xf32, #tpu.memory_space<hbm>> -> memref<1x64xf32, #tpu.memory_space<hbm>>
      %dma_start3A_74 = tpu.memref_squeeze %dma_start3A_73 : memref<1x64xf32, #tpu.memory_space<hbm>> -> memref<64xf32, #tpu.memory_space<hbm>>
      tpu.enqueue_dma source(%dma_start3A_74 : memref<64xf32, #tpu.memory_space<hbm>>) target(%dma_start3A_71 : memref<64xf32, #tpu.memory_space<vmem>>) target_semaphore(%arg7 : memref<!tpu.dma_semaphore, #tpu.memory_space<semaphore_mem>>)
      %slice3A_75 = vector.extract_strided_slice %get3A_59 {offsets = [1], sizes = [1], strides = [1]} : vector<16xi32> to vector<1xi32>
      %squeeze3A_76 = vector.extract %slice3A_75[0] : i32 from vector<1xi32>
      %mul3A_77 = arith.constant 16 : i32
      %mul3A_78 = arith.muli %scan3A_55, %mul3A_77 : i32
      %add3A_79 = arith.constant 1 : i32
      %add3A_80 = arith.addi %mul3A_78, %add3A_79 : i32
      %dma_start3A_81 = arith.constant 0 : i32
      %dma_start3A_82 = tpu.memref_slice %arg6[%add3A_80, %dma_start3A_81] : memref<512x64xf32, #tpu.memory_space<vmem>> -> memref<1x64xf32, #tpu.memory_space<vmem>>
      %dma_start3A_83 = tpu.memref_squeeze %dma_start3A_82 : memref<1x64xf32, #tpu.memory_space<vmem>> -> memref<64xf32, #tpu.memory_space<vmem>>
      %dma_start3A_84 = arith.constant 0 : i32
      %dma_start3A_85 = tpu.memref_slice %arg3[%squeeze3A_76, %dma_start3A_84] : memref<1000000x64xf32, #tpu.memory_space<hbm>> -> memref<1x64xf32, #tpu.memory_space<hbm>>
      %dma_start3A_86 = tpu.memref_squeeze %dma_start3A_85 : memref<1x64xf32, #tpu.memory_space<hbm>> -> memref<64xf32, #tpu.memory_space<hbm>>
      %dma_start3A_87 = arith.constant 0 : i32
      %dma_start3A_88 = tpu.memref_slice %arg6[%add3A_80, %dma_start3A_87] : memref<512x64xf32, #tpu.memory_space<vmem>> -> memref<1x64xf32, #tpu.memory_space<vmem>>
      %dma_start3A_89 = tpu.memref_squeeze %dma_start3A_88 : memref<1x64xf32, #tpu.memory_space<vmem>> -> memref<64xf32, #tpu.memory_space<vmem>>
      %dma_start3A_90 = arith.constant 0 : i32
      %dma_start3A_91 = tpu.memref_slice %arg3[%squeeze3A_76, %dma_start3A_90] : memref<1000000x64xf32, #tpu.memory_space<hbm>> -> memref<1x64xf32, #tpu.memory_space<hbm>>
      %dma_start3A_92 = tpu.memref_squeeze %dma_start3A_91 : memref<1x64xf32, #tpu.memory_space<hbm>> -> memref<64xf32, #tpu.memory_space<hbm>>
      tpu.enqueue_dma source(%dma_start3A_92 : memref<64xf32, #tpu.memory_space<hbm>>) target(%dma_start3A_89 : memref<64xf32, #tpu.memory_space<vmem>>) target_semaphore(%arg8 : memref<!tpu.dma_semaphore, #tpu.memory_space<semaphore_mem>>)
      %slice3A_93 = vector.extract_strided_slice %get3A_59 {offsets = [2], sizes = [1], strides = [1]} : vector<16xi32> to vector<1xi32>
      %squeeze3A_94 = vector.extract %slice3A_93[0] : i32 from vector<1xi32>
      %mul3A_95 = arith.constant 16 : i32
      %mul3A_96 = arith.muli %scan3A_55, %mul3A_95 : i32
      %add3A_97 = arith.constant 2 : i32
      %add3A_98 = arith.addi %mul3A_96, %add3A_97 : i32
      %dma_start3A_99 = arith.constant 0 : i32
      %dma_start3A_100 = tpu.memref_slice %arg6[%add3A_98, %dma_start3A_99] : memref<512x64xf32, #tpu.memory_space<vmem>> -> memref<1x64xf32, #tpu.memory_space<vmem>>
      %dma_start3A_101 = tpu.memref_squeeze %dma_start3A_100 : memref<1x64xf32, #tpu.memory_space<vmem>> -> memref<64xf32, #tpu.memory_space<vmem>>
      %dma_start3A_102 = arith.constant 0 : i32
      %dma_start3A_103 = tpu.memref_slice %arg3[%squeeze3A_94, %dma_start3A_102] : memref<1000000x64xf32, #tpu.memory_space<hbm>> -> memref<1x64xf32, #tpu.memory_space<hbm>>
      %dma_start3A_104 = tpu.memref_squeeze %dma_start3A_103 : memref<1x64xf32, #tpu.memory_space<hbm>> -> memref<64xf32, #tpu.memory_space<hbm>>
      %dma_start3A_105 = arith.constant 0 : i32
      %dma_start3A_106 = tpu.memref_slice %arg6[%add3A_98, %dma_start3A_105] : memref<512x64xf32, #tpu.memory_space<vmem>> -> memref<1x64xf32, #tpu.memory_space<vmem>>
      %dma_start3A_107 = tpu.memref_squeeze %dma_start3A_106 : memref<1x64xf32, #tpu.memory_space<vmem>> -> memref<64xf32, #tpu.memory_space<vmem>>
      %dma_start3A_108 = arith.constant 0 : i32
      %dma_start3A_109 = tpu.memref_slice %arg3[%squeeze3A_94, %dma_start3A_108] : memref<1000000x64xf32, #tpu.memory_space<hbm>> -> memref<1x64xf32, #tpu.memory_space<hbm>>
      %dma_start3A_110 = tpu.memref_squeeze %dma_start3A_109 : memref<1x64xf32, #tpu.memory_space<hbm>> -> memref<64xf32, #tpu.memory_space<hbm>>
      tpu.enqueue_dma source(%dma_start3A_110 : memref<64xf32, #tpu.memory_space<hbm>>) target(%dma_start3A_107 : memref<64xf32, #tpu.memory_space<vmem>>) target_semaphore(%arg9 : memref<!tpu.dma_semaphore, #tpu.memory_space<semaphore_mem>>)
      %slice3A_111 = vector.extract_strided_slice %get3A_59 {offsets = [3], sizes = [1], strides = [1]} : vector<16xi32> to vector<1xi32>
      %squeeze3A_112 = vector.extract %slice3A_111[0] : i32 from vector<1xi32>
      %mul3A_113 = arith.constant 16 : i32
      %mul3A_114 = arith.muli %scan3A_55, %mul3A_113 : i32
      %add3A_115 = arith.constant 3 : i32
      %add3A_116 = arith.addi %mul3A_114, %add3A_115 : i32
      %dma_start3A_117 = arith.constant 0 : i32
      %dma_start3A_118 = tpu.memref_slice %arg6[%add3A_116, %dma_start3A_117] : memref<512x64xf32, #tpu.memory_space<vmem>> -> memref<1x64xf32, #tpu.memory_space<vmem>>
      %dma_start3A_119 = tpu.memref_squeeze %dma_start3A_118 : memref<1x64xf32, #tpu.memory_space<vmem>> -> memref<64xf32, #tpu.memory_space<vmem>>
      %dma_start3A_120 = arith.constant 0 : i32
      %dma_start3A_121 = tpu.memref_slice %arg3[%squeeze3A_112, %dma_start3A_120] : memref<1000000x64xf32, #tpu.memory_space<hbm>> -> memref<1x64xf32, #tpu.memory_space<hbm>>
      %dma_start3A_122 = tpu.memref_squeeze %dma_start3A_121 : memref<1x64xf32, #tpu.memory_space<hbm>> -> memref<64xf32, #tpu.memory_space<hbm>>
      %dma_start3A_123 = arith.constant 0 : i32
      %dma_start3A_124 = tpu.memref_slice %arg6[%add3A_116, %dma_start3A_123] : memref<512x64xf32, #tpu.memory_space<vmem>> -> memref<1x64xf32, #tpu.memory_space<vmem>>
      %dma_start3A_125 = tpu.memref_squeeze %dma_start3A_124 : memref<1x64xf32, #tpu.memory_space<vmem>> -> memref<64xf32, #tpu.memory_space<vmem>>
      %dma_start3A_126 = arith.constant 0 : i32
      %dma_start3A_127 = tpu.memref_slice %arg3[%squeeze3A_112, %dma_start3A_126] : memref<1000000x64xf32, #tpu.memory_space<hbm>> -> memref<1x64xf32, #tpu.memory_space<hbm>>
      %dma_start3A_128 = tpu.memref_squeeze %dma_start3A_127 : memref<1x64xf32, #tpu.memory_space<hbm>> -> memref<64xf32, #tpu.memory_space<hbm>>
      tpu.enqueue_dma source(%dma_start3A_128 : memref<64xf32, #tpu.memory_space<hbm>>) target(%dma_start3A_125 : memref<64xf32, #tpu.memory_space<vmem>>) target_semaphore(%arg10 : memref<!tpu.dma_semaphore, #tpu.memory_space<semaphore_mem>>)
      %slice3A_129 = vector.extract_strided_slice %get3A_59 {offsets = [4], sizes = [1], strides = [1]} : vector<16xi32> to vector<1xi32>
      %squeeze3A_130 = vector.extract %slice3A_129[0] : i32 from vector<1xi32>
      %mul3A_131 = arith.constant 16 : i32
      %mul3A_132 = arith.muli %scan3A_55, %mul3A_131 : i32
      %add3A_133 = arith.constant 4 : i32
      %add3A_134 = arith.addi %mul3A_132, %add3A_133 : i32
      %dma_start3A_135 = arith.constant 0 : i32
      %dma_start3A_136 = tpu.memref_slice %arg6[%add3A_134, %dma_start3A_135] : memref<512x64xf32, #tpu.memory_space<vmem>> -> memref<1x64xf32, #tpu.memory_space<vmem>>
      %dma_start3A_137 = tpu.memref_squeeze %dma_start3A_136 : memref<1x64xf32, #tpu.memory_space<vmem>> -> memref<64xf32, #tpu.memory_space<vmem>>
      %dma_start3A_138 = arith.constant 0 : i32
      %dma_start3A_139 = tpu.memref_slice %arg3[%squeeze3A_130, %dma_start3A_138] : memref<1000000x64xf32, #tpu.memory_space<hbm>> -> memref<1x64xf32, #tpu.memory_space<hbm>>
      %dma_start3A_140 = tpu.memref_squeeze %dma_start3A_139 : memref<1x64xf32, #tpu.memory_space<hbm>> -> memref<64xf32, #tpu.memory_space<hbm>>
      %dma_start3A_141 = arith.constant 0 : i32
      %dma_start3A_142 = tpu.memref_slice %arg6[%add3A_134, %dma_start3A_141] : memref<512x64xf32, #tpu.memory_space<vmem>> -> memref<1x64xf32, #tpu.memory_space<vmem>>
      %dma_start3A_143 = tpu.memref_squeeze %dma_start3A_142 : memref<1x64xf32, #tpu.memory_space<vmem>> -> memref<64xf32, #tpu.memory_space<vmem>>
      %dma_start3A_144 = arith.constant 0 : i32
      %dma_start3A_145 = tpu.memref_slice %arg3[%squeeze3A_130, %dma_start3A_144] : memref<1000000x64xf32, #tpu.memory_space<hbm>> -> memref<1x64xf32, #tpu.memory_space<hbm>>
      %dma_start3A_146 = tpu.memref_squeeze %dma_start3A_145 : memref<1x64xf32, #tpu.memory_space<hbm>> -> memref<64xf32, #tpu.memory_space<hbm>>
      tpu.enqueue_dma source(%dma_start3A_146 : memref<64xf32, #tpu.memory_space<hbm>>) target(%dma_start3A_143 : memref<64xf32, #tpu.memory_space<vmem>>) target_semaphore(%arg7 : memref<!tpu.dma_semaphore, #tpu.memory_space<semaphore_mem>>)
      %slice3A_147 = vector.extract_strided_slice %get3A_59 {offsets = [5], sizes = [1], strides = [1]} : vector<16xi32> to vector<1xi32>
      %squeeze3A_148 = vector.extract %slice3A_147[0] : i32 from vector<1xi32>
      %mul3A_149 = arith.constant 16 : i32
      %mul3A_150 = arith.muli %scan3A_55, %mul3A_149 : i32
      %add3A_151 = arith.constant 5 : i32
      %add3A_152 = arith.addi %mul3A_150, %add3A_151 : i32
      %dma_start3A_153 = arith.constant 0 : i32
      %dma_start3A_154 = tpu.memref_slice %arg6[%add3A_152, %dma_start3A_153] : memref<512x64xf32, #tpu.memory_space<vmem>> -> memref<1x64xf32, #tpu.memory_space<vmem>>
      %dma_start3A_155 = tpu.memref_squeeze %dma_start3A_154 : memref<1x64xf32, #tpu.memory_space<vmem>> -> memref<64xf32, #tpu.memory_space<vmem>>
      %dma_start3A_156 = arith.constant 0 : i32
      %dma_start3A_157 = tpu.memref_slice %arg3[%squeeze3A_148, %dma_start3A_156] : memref<1000000x64xf32, #tpu.memory_space<hbm>> -> memref<1x64xf32, #tpu.memory_space<hbm>>
      %dma_start3A_158 = tpu.memref_squeeze %dma_start3A_157 : memref<1x64xf32, #tpu.memory_space<hbm>> -> memref<64xf32, #tpu.memory_space<hbm>>
      %dma_start3A_159 = arith.constant 0 : i32
      %dma_start3A_160 = tpu.memref_slice %arg6[%add3A_152, %dma_start3A_159] : memref<512x64xf32, #tpu.memory_space<vmem>> -> memref<1x64xf32, #tpu.memory_space<vmem>>
      %dma_start3A_161 = tpu.memref_squeeze %dma_start3A_160 : memref<1x64xf32, #tpu.memory_space<vmem>> -> memref<64xf32, #tpu.memory_space<vmem>>
      %dma_start3A_162 = arith.constant 0 : i32
      %dma_start3A_163 = tpu.memref_slice %arg3[%squeeze3A_148, %dma_start3A_162] : memref<1000000x64xf32, #tpu.memory_space<hbm>> -> memref<1x64xf32, #tpu.memory_space<hbm>>
      %dma_start3A_164 = tpu.memref_squeeze %dma_start3A_163 : memref<1x64xf32, #tpu.memory_space<hbm>> -> memref<64xf32, #tpu.memory_space<hbm>>
      tpu.enqueue_dma source(%dma_start3A_164 : memref<64xf32, #tpu.memory_space<hbm>>) target(%dma_start3A_161 : memref<64xf32, #tpu.memory_space<vmem>>) target_semaphore(%arg8 : memref<!tpu.dma_semaphore, #tpu.memory_space<semaphore_mem>>)
      %slice3A_165 = vector.extract_strided_slice %get3A_59 {offsets = [6], sizes = [1], strides = [1]} : vector<16xi32> to vector<1xi32>
      %squeeze3A_166 = vector.extract %slice3A_165[0] : i32 from vector<1xi32>
      %mul3A_167 = arith.constant 16 : i32
      %mul3A_168 = arith.muli %scan3A_55, %mul3A_167 : i32
      %add3A_169 = arith.constant 6 : i32
      %add3A_170 = arith.addi %mul3A_168, %add3A_169 : i32
      %dma_start3A_171 = arith.constant 0 : i32
      %dma_start3A_172 = tpu.memref_slice %arg6[%add3A_170, %dma_start3A_171] : memref<512x64xf32, #tpu.memory_space<vmem>> -> memref<1x64xf32, #tpu.memory_space<vmem>>
      %dma_start3A_173 = tpu.memref_squeeze %dma_start3A_172 : memref<1x64xf32, #tpu.memory_space<vmem>> -> memref<64xf32, #tpu.memory_space<vmem>>
      %dma_start3A_174 = arith.constant 0 : i32
      %dma_start3A_175 = tpu.memref_slice %arg3[%squeeze3A_166, %dma_start3A_174] : memref<1000000x64xf32, #tpu.memory_space<hbm>> -> memref<1x64xf32, #tpu.memory_space<hbm>>
      %dma_start3A_176 = tpu.memref_squeeze %dma_start3A_175 : memref<1x64xf32, #tpu.memory_space<hbm>> -> memref<64xf32, #tpu.memory_space<hbm>>
      %dma_start3A_177 = arith.constant 0 : i32
      %dma_start3A_178 = tpu.memref_slice %arg6[%add3A_170, %dma_start3A_177] : memref<512x64xf32, #tpu.memory_space<vmem>> -> memref<1x64xf32, #tpu.memory_space<vmem>>
      %dma_start3A_179 = tpu.memref_squeeze %dma_start3A_178 : memref<1x64xf32, #tpu.memory_space<vmem>> -> memref<64xf32, #tpu.memory_space<vmem>>
      %dma_start3A_180 = arith.constant 0 : i32
      %dma_start3A_181 = tpu.memref_slice %arg3[%squeeze3A_166, %dma_start3A_180] : memref<1000000x64xf32, #tpu.memory_space<hbm>> -> memref<1x64xf32, #tpu.memory_space<hbm>>
      %dma_start3A_182 = tpu.memref_squeeze %dma_start3A_181 : memref<1x64xf32, #tpu.memory_space<hbm>> -> memref<64xf32, #tpu.memory_space<hbm>>
      tpu.enqueue_dma source(%dma_start3A_182 : memref<64xf32, #tpu.memory_space<hbm>>) target(%dma_start3A_179 : memref<64xf32, #tpu.memory_space<vmem>>) target_semaphore(%arg9 : memref<!tpu.dma_semaphore, #tpu.memory_space<semaphore_mem>>)
      %slice3A_183 = vector.extract_strided_slice %get3A_59 {offsets = [7], sizes = [1], strides = [1]} : vector<16xi32> to vector<1xi32>
      %squeeze3A_184 = vector.extract %slice3A_183[0] : i32 from vector<1xi32>
      %mul3A_185 = arith.constant 16 : i32
      %mul3A_186 = arith.muli %scan3A_55, %mul3A_185 : i32
      %add3A_187 = arith.constant 7 : i32
      %add3A_188 = arith.addi %mul3A_186, %add3A_187 : i32
      %dma_start3A_189 = arith.constant 0 : i32
      %dma_start3A_190 = tpu.memref_slice %arg6[%add3A_188, %dma_start3A_189] : memref<512x64xf32, #tpu.memory_space<vmem>> -> memref<1x64xf32, #tpu.memory_space<vmem>>
      %dma_start3A_191 = tpu.memref_squeeze %dma_start3A_190 : memref<1x64xf32, #tpu.memory_space<vmem>> -> memref<64xf32, #tpu.memory_space<vmem>>
      %dma_start3A_192 = arith.constant 0 : i32
      %dma_start3A_193 = tpu.memref_slice %arg3[%squeeze3A_184, %dma_start3A_192] : memref<1000000x64xf32, #tpu.memory_space<hbm>> -> memref<1x64xf32, #tpu.memory_space<hbm>>
      %dma_start3A_194 = tpu.memref_squeeze %dma_start3A_193 : memref<1x64xf32, #tpu.memory_space<hbm>> -> memref<64xf32, #tpu.memory_space<hbm>>
      %dma_start3A_195 = arith.constant 0 : i32
      %dma_start3A_196 = tpu.memref_slice %arg6[%add3A_188, %dma_start3A_195] : memref<512x64xf32, #tpu.memory_space<vmem>> -> memref<1x64xf32, #tpu.memory_space<vmem>>
      %dma_start3A_197 = tpu.memref_squeeze %dma_start3A_196 : memref<1x64xf32, #tpu.memory_space<vmem>> -> memref<64xf32, #tpu.memory_space<vmem>>
      %dma_start3A_198 = arith.constant 0 : i32
      %dma_start3A_199 = tpu.memref_slice %arg3[%squeeze3A_184, %dma_start3A_198] : memref<1000000x64xf32, #tpu.memory_space<hbm>> -> memref<1x64xf32, #tpu.memory_space<hbm>>
      %dma_start3A_200 = tpu.memref_squeeze %dma_start3A_199 : memref<1x64xf32, #tpu.memory_space<hbm>> -> memref<64xf32, #tpu.memory_space<hbm>>
      tpu.enqueue_dma source(%dma_start3A_200 : memref<64xf32, #tpu.memory_space<hbm>>) target(%dma_start3A_197 : memref<64xf32, #tpu.memory_space<vmem>>) target_semaphore(%arg10 : memref<!tpu.dma_semaphore, #tpu.memory_space<semaphore_mem>>)
      %slice3A_201 = vector.extract_strided_slice %get3A_59 {offsets = [8], sizes = [1], strides = [1]} : vector<16xi32> to vector<1xi32>
      %squeeze3A_202 = vector.extract %slice3A_201[0] : i32 from vector<1xi32>
      %mul3A_203 = arith.constant 16 : i32
      %mul3A_204 = arith.muli %scan3A_55, %mul3A_203 : i32
      %add3A_205 = arith.constant 8 : i32
      %add3A_206 = arith.addi %mul3A_204, %add3A_205 : i32
      %dma_start3A_207 = arith.constant 0 : i32
      %dma_start3A_208 = tpu.memref_slice %arg6[%add3A_206, %dma_start3A_207] : memref<512x64xf32, #tpu.memory_space<vmem>> -> memref<1x64xf32, #tpu.memory_space<vmem>>
      %dma_start3A_209 = tpu.memref_squeeze %dma_start3A_208 : memref<1x64xf32, #tpu.memory_space<vmem>> -> memref<64xf32, #tpu.memory_space<vmem>>
      %dma_start3A_210 = arith.constant 0 : i32
      %dma_start3A_211 = tpu.memref_slice %arg3[%squeeze3A_202, %dma_start3A_210] : memref<1000000x64xf32, #tpu.memory_space<hbm>> -> memref<1x64xf32, #tpu.memory_space<hbm>>
      %dma_start3A_212 = tpu.memref_squeeze %dma_start3A_211 : memref<1x64xf32, #tpu.memory_space<hbm>> -> memref<64xf32, #tpu.memory_space<hbm>>
      %dma_start3A_213 = arith.constant 0 : i32
      %dma_start3A_214 = tpu.memref_slice %arg6[%add3A_206, %dma_start3A_213] : memref<512x64xf32, #tpu.memory_space<vmem>> -> memref<1x64xf32, #tpu.memory_space<vmem>>
      %dma_start3A_215 = tpu.memref_squeeze %dma_start3A_214 : memref<1x64xf32, #tpu.memory_space<vmem>> -> memref<64xf32, #tpu.memory_space<vmem>>
      %dma_start3A_216 = arith.constant 0 : i32
      %dma_start3A_217 = tpu.memref_slice %arg3[%squeeze3A_202, %dma_start3A_216] : memref<1000000x64xf32, #tpu.memory_space<hbm>> -> memref<1x64xf32, #tpu.memory_space<hbm>>
      %dma_start3A_218 = tpu.memref_squeeze %dma_start3A_217 : memref<1x64xf32, #tpu.memory_space<hbm>> -> memref<64xf32, #tpu.memory_space<hbm>>
      tpu.enqueue_dma source(%dma_start3A_218 : memref<64xf32, #tpu.memory_space<hbm>>) target(%dma_start3A_215 : memref<64xf32, #tpu.memory_space<vmem>>) target_semaphore(%arg7 : memref<!tpu.dma_semaphore, #tpu.memory_space<semaphore_mem>>)
      %slice3A_219 = vector.extract_strided_slice %get3A_59 {offsets = [9], sizes = [1], strides = [1]} : vector<16xi32> to vector<1xi32>
      %squeeze3A_220 = vector.extract %slice3A_219[0] : i32 from vector<1xi32>
      %mul3A_221 = arith.constant 16 : i32
      %mul3A_222 = arith.muli %scan3A_55, %mul3A_221 : i32
      %add3A_223 = arith.constant 9 : i32
      %add3A_224 = arith.addi %mul3A_222, %add3A_223 : i32
      %dma_start3A_225 = arith.constant 0 : i32
      %dma_start3A_226 = tpu.memref_slice %arg6[%add3A_224, %dma_start3A_225] : memref<512x64xf32, #tpu.memory_space<vmem>> -> memref<1x64xf32, #tpu.memory_space<vmem>>
      %dma_start3A_227 = tpu.memref_squeeze %dma_start3A_226 : memref<1x64xf32, #tpu.memory_space<vmem>> -> memref<64xf32, #tpu.memory_space<vmem>>
      %dma_start3A_228 = arith.constant 0 : i32
      %dma_start3A_229 = tpu.memref_slice %arg3[%squeeze3A_220, %dma_start3A_228] : memref<1000000x64xf32, #tpu.memory_space<hbm>> -> memref<1x64xf32, #tpu.memory_space<hbm>>
      %dma_start3A_230 = tpu.memref_squeeze %dma_start3A_229 : memref<1x64xf32, #tpu.memory_space<hbm>> -> memref<64xf32, #tpu.memory_space<hbm>>
      %dma_start3A_231 = arith.constant 0 : i32
      %dma_start3A_232 = tpu.memref_slice %arg6[%add3A_224, %dma_start3A_231] : memref<512x64xf32, #tpu.memory_space<vmem>> -> memref<1x64xf32, #tpu.memory_space<vmem>>
      %dma_start3A_233 = tpu.memref_squeeze %dma_start3A_232 : memref<1x64xf32, #tpu.memory_space<vmem>> -> memref<64xf32, #tpu.memory_space<vmem>>
      %dma_start3A_234 = arith.constant 0 : i32
      %dma_start3A_235 = tpu.memref_slice %arg3[%squeeze3A_220, %dma_start3A_234] : memref<1000000x64xf32, #tpu.memory_space<hbm>> -> memref<1x64xf32, #tpu.memory_space<hbm>>
      %dma_start3A_236 = tpu.memref_squeeze %dma_start3A_235 : memref<1x64xf32, #tpu.memory_space<hbm>> -> memref<64xf32, #tpu.memory_space<hbm>>
      tpu.enqueue_dma source(%dma_start3A_236 : memref<64xf32, #tpu.memory_space<hbm>>) target(%dma_start3A_233 : memref<64xf32, #tpu.memory_space<vmem>>) target_semaphore(%arg8 : memref<!tpu.dma_semaphore, #tpu.memory_space<semaphore_mem>>)
      %slice3A_237 = vector.extract_strided_slice %get3A_59 {offsets = [10], sizes = [1], strides = [1]} : vector<16xi32> to vector<1xi32>
      %squeeze3A_238 = vector.extract %slice3A_237[0] : i32 from vector<1xi32>
      %mul3A_239 = arith.constant 16 : i32
      %mul3A_240 = arith.muli %scan3A_55, %mul3A_239 : i32
      %add3A_241 = arith.constant 10 : i32
      %add3A_242 = arith.addi %mul3A_240, %add3A_241 : i32
      %dma_start3A_243 = arith.constant 0 : i32
      %dma_start3A_244 = tpu.memref_slice %arg6[%add3A_242, %dma_start3A_243] : memref<512x64xf32, #tpu.memory_space<vmem>> -> memref<1x64xf32, #tpu.memory_space<vmem>>
      %dma_start3A_245 = tpu.memref_squeeze %dma_start3A_244 : memref<1x64xf32, #tpu.memory_space<vmem>> -> memref<64xf32, #tpu.memory_space<vmem>>
      %dma_start3A_246 = arith.constant 0 : i32
      %dma_start3A_247 = tpu.memref_slice %arg3[%squeeze3A_238, %dma_start3A_246] : memref<1000000x64xf32, #tpu.memory_space<hbm>> -> memref<1x64xf32, #tpu.memory_space<hbm>>
      %dma_start3A_248 = tpu.memref_squeeze %dma_start3A_247 : memref<1x64xf32, #tpu.memory_space<hbm>> -> memref<64xf32, #tpu.memory_space<hbm>>
      %dma_start3A_249 = arith.constant 0 : i32
      %dma_start3A_250 = tpu.memref_slice %arg6[%add3A_242, %dma_start3A_249] : memref<512x64xf32, #tpu.memory_space<vmem>> -> memref<1x64xf32, #tpu.memory_space<vmem>>
      %dma_start3A_251 = tpu.memref_squeeze %dma_start3A_250 : memref<1x64xf32, #tpu.memory_space<vmem>> -> memref<64xf32, #tpu.memory_space<vmem>>
      %dma_start3A_252 = arith.constant 0 : i32
      %dma_start3A_253 = tpu.memref_slice %arg3[%squeeze3A_238, %dma_start3A_252] : memref<1000000x64xf32, #tpu.memory_space<hbm>> -> memref<1x64xf32, #tpu.memory_space<hbm>>
      %dma_start3A_254 = tpu.memref_squeeze %dma_start3A_253 : memref<1x64xf32, #tpu.memory_space<hbm>> -> memref<64xf32, #tpu.memory_space<hbm>>
      tpu.enqueue_dma source(%dma_start3A_254 : memref<64xf32, #tpu.memory_space<hbm>>) target(%dma_start3A_251 : memref<64xf32, #tpu.memory_space<vmem>>) target_semaphore(%arg9 : memref<!tpu.dma_semaphore, #tpu.memory_space<semaphore_mem>>)
      %slice3A_255 = vector.extract_strided_slice %get3A_59 {offsets = [11], sizes = [1], strides = [1]} : vector<16xi32> to vector<1xi32>
      %squeeze3A_256 = vector.extract %slice3A_255[0] : i32 from vector<1xi32>
      %mul3A_257 = arith.constant 16 : i32
      %mul3A_258 = arith.muli %scan3A_55, %mul3A_257 : i32
      %add3A_259 = arith.constant 11 : i32
      %add3A_260 = arith.addi %mul3A_258, %add3A_259 : i32
      %dma_start3A_261 = arith.constant 0 : i32
      %dma_start3A_262 = tpu.memref_slice %arg6[%add3A_260, %dma_start3A_261] : memref<512x64xf32, #tpu.memory_space<vmem>> -> memref<1x64xf32, #tpu.memory_space<vmem>>
      %dma_start3A_263 = tpu.memref_squeeze %dma_start3A_262 : memref<1x64xf32, #tpu.memory_space<vmem>> -> memref<64xf32, #tpu.memory_space<vmem>>
      %dma_start3A_264 = arith.constant 0 : i32
      %dma_start3A_265 = tpu.memref_slice %arg3[%squeeze3A_256, %dma_start3A_264] : memref<1000000x64xf32, #tpu.memory_space<hbm>> -> memref<1x64xf32, #tpu.memory_space<hbm>>
      %dma_start3A_266 = tpu.memref_squeeze %dma_start3A_265 : memref<1x64xf32, #tpu.memory_space<hbm>> -> memref<64xf32, #tpu.memory_space<hbm>>
      %dma_start3A_267 = arith.constant 0 : i32
      %dma_start3A_268 = tpu.memref_slice %arg6[%add3A_260, %dma_start3A_267] : memref<512x64xf32, #tpu.memory_space<vmem>> -> memref<1x64xf32, #tpu.memory_space<vmem>>
      %dma_start3A_269 = tpu.memref_squeeze %dma_start3A_268 : memref<1x64xf32, #tpu.memory_space<vmem>> -> memref<64xf32, #tpu.memory_space<vmem>>
      %dma_start3A_270 = arith.constant 0 : i32
      %dma_start3A_271 = tpu.memref_slice %arg3[%squeeze3A_256, %dma_start3A_270] : memref<1000000x64xf32, #tpu.memory_space<hbm>> -> memref<1x64xf32, #tpu.memory_space<hbm>>
      %dma_start3A_272 = tpu.memref_squeeze %dma_start3A_271 : memref<1x64xf32, #tpu.memory_space<hbm>> -> memref<64xf32, #tpu.memory_space<hbm>>
      tpu.enqueue_dma source(%dma_start3A_272 : memref<64xf32, #tpu.memory_space<hbm>>) target(%dma_start3A_269 : memref<64xf32, #tpu.memory_space<vmem>>) target_semaphore(%arg10 : memref<!tpu.dma_semaphore, #tpu.memory_space<semaphore_mem>>)
      %slice3A_273 = vector.extract_strided_slice %get3A_59 {offsets = [12], sizes = [1], strides = [1]} : vector<16xi32> to vector<1xi32>
      %squeeze3A_274 = vector.extract %slice3A_273[0] : i32 from vector<1xi32>
      %mul3A_275 = arith.constant 16 : i32
      %mul3A_276 = arith.muli %scan3A_55, %mul3A_275 : i32
      %add3A_277 = arith.constant 12 : i32
      %add3A_278 = arith.addi %mul3A_276, %add3A_277 : i32
      %dma_start3A_279 = arith.constant 0 : i32
      %dma_start3A_280 = tpu.memref_slice %arg6[%add3A_278, %dma_start3A_279] : memref<512x64xf32, #tpu.memory_space<vmem>> -> memref<1x64xf32, #tpu.memory_space<vmem>>
      %dma_start3A_281 = tpu.memref_squeeze %dma_start3A_280 : memref<1x64xf32, #tpu.memory_space<vmem>> -> memref<64xf32, #tpu.memory_space<vmem>>
      %dma_start3A_282 = arith.constant 0 : i32
      %dma_start3A_283 = tpu.memref_slice %arg3[%squeeze3A_274, %dma_start3A_282] : memref<1000000x64xf32, #tpu.memory_space<hbm>> -> memref<1x64xf32, #tpu.memory_space<hbm>>
      %dma_start3A_284 = tpu.memref_squeeze %dma_start3A_283 : memref<1x64xf32, #tpu.memory_space<hbm>> -> memref<64xf32, #tpu.memory_space<hbm>>
      %dma_start3A_285 = arith.constant 0 : i32
      %dma_start3A_286 = tpu.memref_slice %arg6[%add3A_278, %dma_start3A_285] : memref<512x64xf32, #tpu.memory_space<vmem>> -> memref<1x64xf32, #tpu.memory_space<vmem>>
      %dma_start3A_287 = tpu.memref_squeeze %dma_start3A_286 : memref<1x64xf32, #tpu.memory_space<vmem>> -> memref<64xf32, #tpu.memory_space<vmem>>
      %dma_start3A_288 = arith.constant 0 : i32
      %dma_start3A_289 = tpu.memref_slice %arg3[%squeeze3A_274, %dma_start3A_288] : memref<1000000x64xf32, #tpu.memory_space<hbm>> -> memref<1x64xf32, #tpu.memory_space<hbm>>
      %dma_start3A_290 = tpu.memref_squeeze %dma_start3A_289 : memref<1x64xf32, #tpu.memory_space<hbm>> -> memref<64xf32, #tpu.memory_space<hbm>>
      tpu.enqueue_dma source(%dma_start3A_290 : memref<64xf32, #tpu.memory_space<hbm>>) target(%dma_start3A_287 : memref<64xf32, #tpu.memory_space<vmem>>) target_semaphore(%arg7 : memref<!tpu.dma_semaphore, #tpu.memory_space<semaphore_mem>>)
      %slice3A_291 = vector.extract_strided_slice %get3A_59 {offsets = [13], sizes = [1], strides = [1]} : vector<16xi32> to vector<1xi32>
      %squeeze3A_292 = vector.extract %slice3A_291[0] : i32 from vector<1xi32>
      %mul3A_293 = arith.constant 16 : i32
      %mul3A_294 = arith.muli %scan3A_55, %mul3A_293 : i32
      %add3A_295 = arith.constant 13 : i32
      %add3A_296 = arith.addi %mul3A_294, %add3A_295 : i32
      %dma_start3A_297 = arith.constant 0 : i32
      %dma_start3A_298 = tpu.memref_slice %arg6[%add3A_296, %dma_start3A_297] : memref<512x64xf32, #tpu.memory_space<vmem>> -> memref<1x64xf32, #tpu.memory_space<vmem>>
      %dma_start3A_299 = tpu.memref_squeeze %dma_start3A_298 : memref<1x64xf32, #tpu.memory_space<vmem>> -> memref<64xf32, #tpu.memory_space<vmem>>
      %dma_start3A_300 = arith.constant 0 : i32
      %dma_start3A_301 = tpu.memref_slice %arg3[%squeeze3A_292, %dma_start3A_300] : memref<1000000x64xf32, #tpu.memory_space<hbm>> -> memref<1x64xf32, #tpu.memory_space<hbm>>
      %dma_start3A_302 = tpu.memref_squeeze %dma_start3A_301 : memref<1x64xf32, #tpu.memory_space<hbm>> -> memref<64xf32, #tpu.memory_space<hbm>>
      %dma_start3A_303 = arith.constant 0 : i32
      %dma_start3A_304 = tpu.memref_slice %arg6[%add3A_296, %dma_start3A_303] : memref<512x64xf32, #tpu.memory_space<vmem>> -> memref<1x64xf32, #tpu.memory_space<vmem>>
      %dma_start3A_305 = tpu.memref_squeeze %dma_start3A_304 : memref<1x64xf32, #tpu.memory_space<vmem>> -> memref<64xf32, #tpu.memory_space<vmem>>
      %dma_start3A_306 = arith.constant 0 : i32
      %dma_start3A_307 = tpu.memref_slice %arg3[%squeeze3A_292, %dma_start3A_306] : memref<1000000x64xf32, #tpu.memory_space<hbm>> -> memref<1x64xf32, #tpu.memory_space<hbm>>
      %dma_start3A_308 = tpu.memref_squeeze %dma_start3A_307 : memref<1x64xf32, #tpu.memory_space<hbm>> -> memref<64xf32, #tpu.memory_space<hbm>>
      tpu.enqueue_dma source(%dma_start3A_308 : memref<64xf32, #tpu.memory_space<hbm>>) target(%dma_start3A_305 : memref<64xf32, #tpu.memory_space<vmem>>) target_semaphore(%arg8 : memref<!tpu.dma_semaphore, #tpu.memory_space<semaphore_mem>>)
      %slice3A_309 = vector.extract_strided_slice %get3A_59 {offsets = [14], sizes = [1], strides = [1]} : vector<16xi32> to vector<1xi32>
      %squeeze3A_310 = vector.extract %slice3A_309[0] : i32 from vector<1xi32>
      %mul3A_311 = arith.constant 16 : i32
      %mul3A_312 = arith.muli %scan3A_55, %mul3A_311 : i32
      %add3A_313 = arith.constant 14 : i32
      %add3A_314 = arith.addi %mul3A_312, %add3A_313 : i32
      %dma_start3A_315 = arith.constant 0 : i32
      %dma_start3A_316 = tpu.memref_slice %arg6[%add3A_314, %dma_start3A_315] : memref<512x64xf32, #tpu.memory_space<vmem>> -> memref<1x64xf32, #tpu.memory_space<vmem>>
      %dma_start3A_317 = tpu.memref_squeeze %dma_start3A_316 : memref<1x64xf32, #tpu.memory_space<vmem>> -> memref<64xf32, #tpu.memory_space<vmem>>
      %dma_start3A_318 = arith.constant 0 : i32
      %dma_start3A_319 = tpu.memref_slice %arg3[%squeeze3A_310, %dma_start3A_318] : memref<1000000x64xf32, #tpu.memory_space<hbm>> -> memref<1x64xf32, #tpu.memory_space<hbm>>
      %dma_start3A_320 = tpu.memref_squeeze %dma_start3A_319 : memref<1x64xf32, #tpu.memory_space<hbm>> -> memref<64xf32, #tpu.memory_space<hbm>>
      %dma_start3A_321 = arith.constant 0 : i32
      %dma_start3A_322 = tpu.memref_slice %arg6[%add3A_314, %dma_start3A_321] : memref<512x64xf32, #tpu.memory_space<vmem>> -> memref<1x64xf32, #tpu.memory_space<vmem>>
      %dma_start3A_323 = tpu.memref_squeeze %dma_start3A_322 : memref<1x64xf32, #tpu.memory_space<vmem>> -> memref<64xf32, #tpu.memory_space<vmem>>
      %dma_start3A_324 = arith.constant 0 : i32
      %dma_start3A_325 = tpu.memref_slice %arg3[%squeeze3A_310, %dma_start3A_324] : memref<1000000x64xf32, #tpu.memory_space<hbm>> -> memref<1x64xf32, #tpu.memory_space<hbm>>
      %dma_start3A_326 = tpu.memref_squeeze %dma_start3A_325 : memref<1x64xf32, #tpu.memory_space<hbm>> -> memref<64xf32, #tpu.memory_space<hbm>>
      tpu.enqueue_dma source(%dma_start3A_326 : memref<64xf32, #tpu.memory_space<hbm>>) target(%dma_start3A_323 : memref<64xf32, #tpu.memory_space<vmem>>) target_semaphore(%arg9 : memref<!tpu.dma_semaphore, #tpu.memory_space<semaphore_mem>>)
      %slice3A_327 = vector.extract_strided_slice %get3A_59 {offsets = [15], sizes = [1], strides = [1]} : vector<16xi32> to vector<1xi32>
      %squeeze3A_328 = vector.extract %slice3A_327[0] : i32 from vector<1xi32>
      %mul3A_329 = arith.constant 16 : i32
      %mul3A_330 = arith.muli %scan3A_55, %mul3A_329 : i32
      %add3A_331 = arith.constant 15 : i32
      %add3A_332 = arith.addi %mul3A_330, %add3A_331 : i32
      %dma_start3A_333 = arith.constant 0 : i32
      %dma_start3A_334 = tpu.memref_slice %arg6[%add3A_332, %dma_start3A_333] : memref<512x64xf32, #tpu.memory_space<vmem>> -> memref<1x64xf32, #tpu.memory_space<vmem>>
      %dma_start3A_335 = tpu.memref_squeeze %dma_start3A_334 : memref<1x64xf32, #tpu.memory_space<vmem>> -> memref<64xf32, #tpu.memory_space<vmem>>
      %dma_start3A_336 = arith.constant 0 : i32
      %dma_start3A_337 = tpu.memref_slice %arg3[%squeeze3A_328, %dma_start3A_336] : memref<1000000x64xf32, #tpu.memory_space<hbm>> -> memref<1x64xf32, #tpu.memory_space<hbm>>
      %dma_start3A_338 = tpu.memref_squeeze %dma_start3A_337 : memref<1x64xf32, #tpu.memory_space<hbm>> -> memref<64xf32, #tpu.memory_space<hbm>>
      %dma_start3A_339 = arith.constant 0 : i32
      %dma_start3A_340 = tpu.memref_slice %arg6[%add3A_332, %dma_start3A_339] : memref<512x64xf32, #tpu.memory_space<vmem>> -> memref<1x64xf32, #tpu.memory_space<vmem>>
      %dma_start3A_341 = tpu.memref_squeeze %dma_start3A_340 : memref<1x64xf32, #tpu.memory_space<vmem>> -> memref<64xf32, #tpu.memory_space<vmem>>
      %dma_start3A_342 = arith.constant 0 : i32
      %dma_start3A_343 = tpu.memref_slice %arg3[%squeeze3A_328, %dma_start3A_342] : memref<1000000x64xf32, #tpu.memory_space<hbm>> -> memref<1x64xf32, #tpu.memory_space<hbm>>
      %dma_start3A_344 = tpu.memref_squeeze %dma_start3A_343 : memref<1x64xf32, #tpu.memory_space<hbm>> -> memref<64xf32, #tpu.memory_space<hbm>>
      tpu.enqueue_dma source(%dma_start3A_344 : memref<64xf32, #tpu.memory_space<hbm>>) target(%dma_start3A_341 : memref<64xf32, #tpu.memory_space<vmem>>) target_semaphore(%arg10 : memref<!tpu.dma_semaphore, #tpu.memory_space<semaphore_mem>>)
    }
    %scan3A_5 = arith.constant 32 : i32
    %dma_wait3A = arith.constant 0 : i32
    %dma_wait3A_6 = arith.constant 0 : i32
    %dma_wait3A_7 = tpu.memref_slice %arg6[%dma_wait3A, %dma_wait3A_6] : memref<512x64xf32, #tpu.memory_space<vmem>> -> memref<128x64xf32, #tpu.memory_space<vmem>>
    %dma_wait3A_8 = arith.constant 0 : i32
    %dma_wait3A_9 = arith.constant 0 : i32
    %dma_wait3A_10 = tpu.memref_slice %arg3[%dma_wait3A_8, %dma_wait3A_9] : memref<1000000x64xf32, #tpu.memory_space<hbm>> -> memref<128x64xf32, #tpu.memory_space<hbm>>
    %dma_wait3A_11 = arith.constant 0 : i32
    %dma_wait3A_12 = arith.constant 0 : i32
    %dma_wait3A_13 = tpu.memref_slice %arg6[%dma_wait3A_11, %dma_wait3A_12] : memref<512x64xf32, #tpu.memory_space<vmem>> -> memref<128x64xf32, #tpu.memory_space<vmem>>
    %dma_wait3A_14 = arith.constant 0 : i32
    %dma_wait3A_15 = arith.constant 0 : i32
    %dma_wait3A_16 = tpu.memref_slice %arg3[%dma_wait3A_14, %dma_wait3A_15] : memref<1000000x64xf32, #tpu.memory_space<hbm>> -> memref<128x64xf32, #tpu.memory_space<hbm>>
    tpu.wait_dma2 semaphore(%arg7 : memref<!tpu.dma_semaphore, #tpu.memory_space<semaphore_mem>>) src(%dma_wait3A_16 : memref<128x64xf32, #tpu.memory_space<hbm>>) dst(%dma_wait3A_13 : memref<128x64xf32, #tpu.memory_space<vmem>>)
    %dma_wait3A_17 = arith.constant 128 : i32
    %dma_wait3A_18 = arith.constant 0 : i32
    %dma_wait3A_19 = tpu.memref_slice %arg6[%dma_wait3A_17, %dma_wait3A_18] : memref<512x64xf32, #tpu.memory_space<vmem>> -> memref<128x64xf32, #tpu.memory_space<vmem>>
    %dma_wait3A_20 = arith.constant 0 : i32
    %dma_wait3A_21 = arith.constant 0 : i32
    %dma_wait3A_22 = tpu.memref_slice %arg3[%dma_wait3A_20, %dma_wait3A_21] : memref<1000000x64xf32, #tpu.memory_space<hbm>> -> memref<128x64xf32, #tpu.memory_space<hbm>>
    %dma_wait3A_23 = arith.constant 128 : i32
    %dma_wait3A_24 = arith.constant 0 : i32
    %dma_wait3A_25 = tpu.memref_slice %arg6[%dma_wait3A_23, %dma_wait3A_24] : memref<512x64xf32, #tpu.memory_space<vmem>> -> memref<128x64xf32, #tpu.memory_space<vmem>>
    %dma_wait3A_26 = arith.constant 0 : i32
    %dma_wait3A_27 = arith.constant 0 : i32
    %dma_wait3A_28 = tpu.memref_slice %arg3[%dma_wait3A_26, %dma_wait3A_27] : memref<1000000x64xf32, #tpu.memory_space<hbm>> -> memref<128x64xf32, #tpu.memory_space<hbm>>
    tpu.wait_dma2 semaphore(%arg8 : memref<!tpu.dma_semaphore, #tpu.memory_space<semaphore_mem>>) src(%dma_wait3A_28 : memref<128x64xf32, #tpu.memory_space<hbm>>) dst(%dma_wait3A_25 : memref<128x64xf32, #tpu.memory_space<vmem>>)
    %dma_wait3A_29 = arith.constant 256 : i32
    %dma_wait3A_30 = arith.constant 0 : i32
    %dma_wait3A_31 = tpu.memref_slice %arg6[%dma_wait3A_29, %dma_wait3A_30] : memref<512x64xf32, #tpu.memory_space<vmem>> -> memref<128x64xf32, #tpu.memory_space<vmem>>
    %dma_wait3A_32 = arith.constant 0 : i32
    %dma_wait3A_33 = arith.constant 0 : i32
    %dma_wait3A_34 = tpu.memref_slice %arg3[%dma_wait3A_32, %dma_wait3A_33] : memref<1000000x64xf32, #tpu.memory_space<hbm>> -> memref<128x64xf32, #tpu.memory_space<hbm>>
    %dma_wait3A_35 = arith.constant 256 : i32
    %dma_wait3A_36 = arith.constant 0 : i32
    %dma_wait3A_37 = tpu.memref_slice %arg6[%dma_wait3A_35, %dma_wait3A_36] : memref<512x64xf32, #tpu.memory_space<vmem>> -> memref<128x64xf32, #tpu.memory_space<vmem>>
    %dma_wait3A_38 = arith.constant 0 : i32
    %dma_wait3A_39 = arith.constant 0 : i32
    %dma_wait3A_40 = tpu.memref_slice %arg3[%dma_wait3A_38, %dma_wait3A_39] : memref<1000000x64xf32, #tpu.memory_space<hbm>> -> memref<128x64xf32, #tpu.memory_space<hbm>>
    tpu.wait_dma2 semaphore(%arg9 : memref<!tpu.dma_semaphore, #tpu.memory_space<semaphore_mem>>) src(%dma_wait3A_40 : memref<128x64xf32, #tpu.memory_space<hbm>>) dst(%dma_wait3A_37 : memref<128x64xf32, #tpu.memory_space<vmem>>)
    %dma_wait3A_41 = arith.constant 384 : i32
    %dma_wait3A_42 = arith.constant 0 : i32
    %dma_wait3A_43 = tpu.memref_slice %arg6[%dma_wait3A_41, %dma_wait3A_42] : memref<512x64xf32, #tpu.memory_space<vmem>> -> memref<128x64xf32, #tpu.memory_space<vmem>>
    %dma_wait3A_44 = arith.constant 0 : i32
    %dma_wait3A_45 = arith.constant 0 : i32
    %dma_wait3A_46 = tpu.memref_slice %arg3[%dma_wait3A_44, %dma_wait3A_45] : memref<1000000x64xf32, #tpu.memory_space<hbm>> -> memref<128x64xf32, #tpu.memory_space<hbm>>
    %dma_wait3A_47 = arith.constant 384 : i32
    %dma_wait3A_48 = arith.constant 0 : i32
    %dma_wait3A_49 = tpu.memref_slice %arg6[%dma_wait3A_47, %dma_wait3A_48] : memref<512x64xf32, #tpu.memory_space<vmem>> -> memref<128x64xf32, #tpu.memory_space<vmem>>
    %dma_wait3A_50 = arith.constant 0 : i32
    %dma_wait3A_51 = arith.constant 0 : i32
    %dma_wait3A_52 = tpu.memref_slice %arg3[%dma_wait3A_50, %dma_wait3A_51] : memref<1000000x64xf32, #tpu.memory_space<hbm>> -> memref<128x64xf32, #tpu.memory_space<hbm>>
    tpu.wait_dma2 semaphore(%arg10 : memref<!tpu.dma_semaphore, #tpu.memory_space<semaphore_mem>>) src(%dma_wait3A_52 : memref<128x64xf32, #tpu.memory_space<hbm>>) dst(%dma_wait3A_49 : memref<128x64xf32, #tpu.memory_space<vmem>>)
    %mul3A_53 = arith.constant 512 : i32
    %mul3A_54 = arith.muli %add3A, %mul3A_53 : i32
    "tpu.region"() ({
      %run_scoped3A = tpu.sem_alloc : memref<!tpu.dma_semaphore, #tpu.memory_space<semaphore_mem>>
      %dma_start3A = arith.constant 0 : i32
      %dma_start3A_55 = tpu.memref_slice %arg4[%mul3A_54, %dma_start3A] : memref<16384x64xf32, #tpu.memory_space<hbm>> -> memref<512x64xf32, #tpu.memory_space<hbm>>
      %dma_start3A_56 = arith.constant 0 : i32
      %dma_start3A_57 = tpu.memref_slice %arg4[%mul3A_54, %dma_start3A_56] : memref<16384x64xf32, #tpu.memory_space<hbm>> -> memref<512x64xf32, #tpu.memory_space<hbm>>
      tpu.enqueue_dma source(%arg6 : memref<512x64xf32, #tpu.memory_space<vmem>>) target(%dma_start3A_57 : memref<512x64xf32, #tpu.memory_space<hbm>>) target_semaphore(%run_scoped3A : memref<!tpu.dma_semaphore, #tpu.memory_space<semaphore_mem>>)
      %dma_wait3A_58 = arith.constant 0 : i32
      %dma_wait3A_59 = tpu.memref_slice %arg4[%mul3A_54, %dma_wait3A_58] : memref<16384x64xf32, #tpu.memory_space<hbm>> -> memref<512x64xf32, #tpu.memory_space<hbm>>
      %dma_wait3A_60 = arith.constant 0 : i32
      %dma_wait3A_61 = tpu.memref_slice %arg4[%mul3A_54, %dma_wait3A_60] : memref<16384x64xf32, #tpu.memory_space<hbm>> -> memref<512x64xf32, #tpu.memory_space<hbm>>
      tpu.wait_dma2 semaphore(%run_scoped3A : memref<!tpu.dma_semaphore, #tpu.memory_space<semaphore_mem>>) src(%arg6 : memref<512x64xf32, #tpu.memory_space<vmem>>) dst(%dma_wait3A_61 : memref<512x64xf32, #tpu.memory_space<hbm>>)
      tpu.yield
    }) : () -> ()
    return
  }
}

</mosaic_0001>

<sc_bundles>
// kernel: kernel.3.cloned.1.call-start
scs
__scs_entry_jumppad:
0x0: {  	(pc) =	sbr.rel $0x88, $3  }
0x1: {  	(tag) =	ssettag $0x0;
	lr =	simm.s32 $0x1  }
0x2: {  	[smem:$0x3F9F] =	sst lr;
	_ =	strace $0xD0000000  }
0x3: {  	_ = 	snop  }
0x4: {  	_ = 	snop  }
0x5: {  	_ = 	snop  }
0x6: {  	_ = 	snop  }
0x7: {  	_ = 	snop  }
__scs_overlays_trampoline_lowered:
0x8: {  	[smem:$0x3FAE] =	sst s0  }
0x9: {  	[smem:$0x3FAF] =	sst s1  }
0xa: {  	[smem:$0x3FB0] =	sst s2  }
0xb: {  	[smem:$0x3FB1] =	sst s3  }
0xc: {  	[smem:$0x3FB2] =	sst s4  }
0xd: {  	[smem:$0x3FB3] =	sst s5  }
0xe: {  	[smem:$0x3FB4] =	sst s6  }
0xf: {  	[smem:$0x3FB5] =	sst s7  }
0x10: {  	[smem:$0x3FB6] =	sst s8  }
0x11: {  	[smem:$0x3FB7] =	sst s9;
	s0 =	simm.s32 @!p0 $0x0  }
0x12: {  	s1 =	sld [smem:$0x3F9D];
	s0 =	simm.s32 @p0 $0x1  }
0x13: {  	[smem:$0x3FB8] =	sst s0;
	s0 =	simm.s32 @!p1 $0x0  }
0x14: {  	s2 =	sld [smem:$0x3F9C];
	s0 =	simm.s32 @p1 $0x1  }
0x15: {  	[smem:$0x3FB9] =	sst s0;
	s0 =	simm.s32 @!p2 $0x0  }
0x16: {  	s3 =	sld [smem:$0x3FDB];
	s0 =	simm.s32 @p2 $0x1  }
0x17: {  	s4 =	simm.s32 $0x1BF5;
	[smem:$0x3FBB] =	sst s0  }
0x18: {  	s0 =	sld [smem:$0x3F9E];
	_ =	swait.ge [sflag:s4], $0x0  }
0x19: {  	s7 =	sld [smem:$0x3F9F]  }
0x1a: {  	s8 =	sadd.s32 $0xFFFFE003, lr  }
0x1b: {  	s9 =	sadd.s32 $0xFFFFFEF7, lr;
	s5 =	simm.s32 $0xFFFFFFFF;
	p2 =	slt.u32 s8, $0xFFFFF086  }
0x1c: {  	p1 =	slt.u32 s9, $0xF7A;
	s5 =	simm.s32 @!p2 $0x0  }
0x1d: {  	s5 =	simm.s32 @p1 $0x1;
	p0 =	seq.s32 s7, s2  }
0x1e: {  	s7 =	smul.u32 @!p0 $0xF7A, s2;
	p2 =	seq.s32 @!p0 s5, $0x0  }
0x1f: {  	s9 =	smul.u32 $0xF7A, s1;
	s8 =	simm.s32 @!p0 $0x1BF5;
	p2 =	por !p2, p0  }
0x20: {  	[sflag:s8] =	ssyncset.s32 @!p0 $0xFFFFF086;
	s6 =	sadd.s32 @!p0 s3, s7;
	s7 =	simm.s32 @!p0 $0x108  }
0x21: {  	s3 =	sadd.s32 s3, s9;
	s6 =	sadd.s32 @!p0 $0x88, s6;
	s7 =	simm.s32 @p2 $0x1082  }
0x22: {  	[simem:s7], [sflag:s8] =	dma.local @!p0 [hbm:s6], $0xF7A  }
0x23: {  	s9 =	sor.u32 $0xD0000000, s2;
	s6 =	simm.s32 $0x108;
	_ =	swait.ge @!p0 [sflag:s8], $0x0  }
0x24: {  	s3 =	sadd.s32 $0x88, s3;
	s6 =	simm.s32 @!p1 $0x1082;
	[sflag:s4] =	ssyncset.s32 $0xFFFFF086  }
0x25: {  	[simem:s6], [sflag:s4] =	dma.local [hbm:s3], $0xF7A  }
0x26: {  	[smem:$0x3F9F] =	sst s1;
	(tag) =	ssettag s2;
	_ =	strace s9  }
0x27: {  	s1 =	sld [smem:$0x3FAF]  }
0x28: {  	s2 =	sld [smem:$0x3FB0]  }
0x29: {  	s4 =	sld [smem:$0x3FB2]  }
0x2a: {  	p0 =	seq.s32 s5, $0x0;
	s5 =	sld [smem:$0x3FB3]  }
0x2b: {  	s6 =	sld [smem:$0x3FB4]  }
0x2c: {  	s7 =	sld [smem:$0x3FB5]  }
0x2d: {  	s3 =	simm.s32 $0x108;
	s8 =	sld [smem:$0x3FB6]  }
0x2e: {  	s3 =	simm.s32 @!p0 $0x1082;
	s9 =	sld [smem:$0x3FB7]  }
0x2f: {  	lr =	sadd.s32 s0, s3;
	s0 =	sld [smem:$0x3FAE]  }
0x30: {  	s3 =	sld [smem:$0x3FB1]  }
0x31: {  	[smem:$0x3FBA] =	sst s10  }
0x32: {  	s10 =	sld [smem:$0x3FB8];
	_ =	sdelay $0x3  }
0x33: {  	p0 =	seq.s32 s10, $0x1;
	s10 =	sld [smem:$0x3FBA];
	_ =	sdelay $0x3  }
0x34: {  	[smem:$0x3FBA] =	sst s10  }
0x35: {  	s10 =	sld [smem:$0x3FB9];
	_ =	sdelay $0x3  }
0x36: {  	p1 =	seq.s32 s10, $0x1;
	s10 =	sld [smem:$0x3FBA];
	_ =	sdelay $0x3  }
0x37: {  	[smem:$0x3FBA] =	sst s10  }
0x38: {  	s10 =	sld [smem:$0x3FBB]  }
0x39: {  	_ = 	snop;
	(pc) =	sbr.ind lr, $3  }
0x3a: {  	_ = 	snop  }
0x3b: {  	_ = 	snop  }
0x3c: {  	p2 =	seq.s32 s10, $0x1;
	s10 =	sld [smem:$0x3FBA]  }
0x3d: {  	_ =	shalt  }
0x3e: {  	_ =	shalt  }
0x3f: {  	_ =	shalt  }
0x40: {  	_ =	shalt  }
0x41: {  	_ =	shalt  }
0x42: {  	_ =	shalt  }
0x43: {  	_ =	shalt  }
0x44: {  	_ =	shalt  }
0x45: {  	_ =	shalt  }
0x46: {  	_ =	shalt  }
0x47: {  	_ =	shalt  }
0x48: {  	_ =	shalt  }
0x49: {  	_ =	shalt  }
0x4a: {  	_ =	shalt  }
0x4b: {  	_ =	shalt  }
0x4c: {  	_ =	shalt  }
0x4d: {  	_ =	shalt  }
0x4e: {  	_ =	shalt  }
0x4f: {  	_ =	shalt  }
0x50: {  	_ =	shalt  }
0x51: {  	_ =	shalt  }
0x52: {  	_ =	shalt  }
0x53: {  	_ =	shalt  }
0x54: {  	_ =	shalt  }
0x55: {  	_ =	shalt  }
0x56: {  	_ =	shalt  }
0x57: {  	_ =	shalt  }
0x58: {  	_ =	shalt  }
0x59: {  	_ =	shalt  }
0x5a: {  	_ =	shalt  }
0x5b: {  	_ =	shalt  }
0x5c: {  	_ =	shalt  }
0x5d: {  	_ =	shalt  }
0x5e: {  	_ =	shalt  }
0x5f: {  	_ =	shalt  }
0x60: {  	_ =	shalt  }
0x61: {  	_ =	shalt  }
0x62: {  	_ =	shalt  }
0x63: {  	_ =	shalt  }
0x64: {  	_ =	shalt  }
0x65: {  	_ =	shalt  }
0x66: {  	_ =	shalt  }
0x67: {  	_ =	shalt  }
0x68: {  	_ =	shalt  }
0x69: {  	_ =	shalt  }
0x6a: {  	_ =	shalt  }
0x6b: {  	_ =	shalt  }
0x6c: {  	_ =	shalt  }
0x6d: {  	_ =	shalt  }
0x6e: {  	_ =	shalt  }
0x6f: {  	_ =	shalt  }
0x70: {  	_ =	shalt  }
0x71: {  	_ =	shalt  }
0x72: {  	_ =	shalt  }
0x73: {  	_ =	shalt  }
0x74: {  	_ =	shalt  }
0x75: {  	_ =	shalt  }
0x76: {  	_ =	shalt  }
0x77: {  	_ =	shalt  }
0x78: {  	_ =	shalt  }
0x79: {  	_ =	shalt  }
0x7a: {  	_ =	shalt  }
0x7b: {  	_ =	shalt  }
0x7c: {  	_ =	shalt  }
0x7d: {  	_ =	shalt  }
0x7e: {  	_ =	shalt  }
0x7f: {  	_ =	shalt  }
0x80: {  	_ =	shalt  }
0x81: {  	_ =	shalt  }
0x82: {  	_ =	shalt  }
0x83: {  	_ =	shalt  }
0x84: {  	_ =	shalt  }
0x85: {  	_ =	shalt  }
0x86: {  	_ =	shalt  }
0x87: {  	_ =	shalt  }
.Lfunc_end0:
.L_simem_size_0:
called_computation_lowered:
.L_overlay_start_0:
0x88: {  	s2 =	sld [smem:$0x3FD9]  }
0x89: {  	s3 =	sld [smem:$0x3FFE];
	_ =	sdelay $0x1  }
0x8a: {  	s1 =	srdreg.scid  }
0x8b: {  	s0 =	sand.u32 $0x1, s1  }
0x8c: {  	s17 =	sshll.u32 s0, $0xA;
	s2 =	sadd.s32 s3, s2  }
0x8d: {  	s2 =	sadd.s32 s2, s17  }
0x8e: {  	[smem:$0x3FC6] =	sst s2  }
0x8f: {  	_ = 	snop  }
0x90: {  	s2 =	sld [smem:$0x3FD0];
	(tm) =	ssettm $0x1  }
0x91: {  	s18 =	sld [smem:$0x3FFB];
	_ =	sdelay $0x3  }
0x92: {  	_ =	strace s18  }
0x93: {  	s3 =	sld [smem:$0x3FFC];
	_ =	sdelay $0x3  }
0x94: {  	_ =	strace s3  }
0x95: {  	s3 =	sld [smem:$0x3FFD];
	_ =	sdelay $0x3  }
0x96: {  	_ =	strace s3  }
0x97: {  	_ =	strace $0x8FFFFFFF  }
0x98: {  	s19 =	sld [smem:$0x3FDB];
	_ =	sdelay $0x1  }
0x99: {  	s4 =	simm.s32 $_scs_section_size  }
0x9a: {  	s5 =	simm.s32 $_size__tile_overlayer_lowered;
	s6 =	simm.s32 $_tile_overlayer_lowered  }
0x9b: {  	s22 =	simm.s32 $0x1BFF;
	s21 =	sshll.u32 s6, $0x1;
	s3 =	sadd.s32 s4, s19  }
0x9c: {  	s7 =	simm.s32 $0x0;
	s20 =	sshll.u32 s5, $0x1;
	s5 =	sadd.s32 s21, s3  }
0x9d: {  	[timem:s7], [sflag:s22] =	dma.local [hbm:s5], s20  }
0x9e: {  	_ =	swait.ge [sflag:s22], s20  }
0x9f: {  	s4 =	ssub.s32 $0x0, s20;
	[sflag:s22] =	ssyncset.done $0x0  }
0xa0: {  	[sflag:s22] =	ssyncadd.s32 s4;
	_ =	sdelay $0x1  }
0xa1: {  	s23 =	simm.s32 $0x1B8B  }
0xa2: {  	_ =	swait.ge [sflag:s23], $0x1  }
0xa3: {  	[sflag:s23] =	ssyncset.done $0x0  }
0xa4: {  	s25 =	simm.s32 $0x1B8E;
	s24 =	sld [smem:$0x3FFE];
	[sflag:s23] =	ssyncadd.s32 $0xFFFFFFFF  }
0xa5: {  	s26 =	simm.s32 $execute0_lowered;
	[smem:$0x3FD2] =	sst s25  }
0xa6: {  	s5 =	sshll.u32 s26, $0x1;
	_ =	strace $0x80000046;
	[dreg:$0x1] =	wrdreg $0xFFFFFFFF  }
0xa7: {  	s28 =	simm.s32 $_size_execute0_lowered;
	s3 =	sadd.s32 s3, s5;
	[dreg:$0x0] =	wrdreg $0x0  }
0xa8: {  	s5 =	sshll.u32 s28, $0x1;
	[dreg:$0x2] =	wrdreg s3  }
0xa9: {  	[dreg:$0x3] =	wrdreg s5  }
0xaa: {  	[dreg:$0x4] =	wrdreg $0xC0  }
0xab: {  	_ =	task [dreg:s7], $0x5FFFF  }
0xac: {  	[dreg:$0x1] =	wrdreg $0xFFFFFFFF  }
0xad: {  	[dreg:$0x0] =	wrdreg $0x60  }
0xae: {  	[dreg:$0x2] =	wrdreg s2  }
0xaf: {  	[dreg:$0x3] =	wrdreg s24  }
0xb0: {  	[dreg:$0x4] =	wrdreg $0x9  }
0xb1: {  	_ =	task.clear_ibuf [dreg:s7], $0x5FFFF;
	_ =	strace $0x90000046  }
0xb2: {  	s29 =	simm.s32 $0x9;
	_ =	strace $0x80000048  }
0xb3: {  	_ =	swait.ge [sflag:s29], $0x1  }
0xb4: {  	[sflag:s29] =	ssyncadd.s32 $0xFFFFFFFF  }
0xb5: {  	_ =	strace $0x90000048  }
0xb6: {  	_ =	sfence  }
0xb7: {  	s30 =	sld [smem:$0x0];
	_ =	sdelay $0x2  }
0xb8: {  	s31 =	sshll.u32 s1, $0xD;
	s1 =	sshrl.u32 s1, $0x2  }
0xb9: {  	s3 =	sand.u32 $0x4000, s31;
	s1 =	sadd.s32 s1, s30  }
0xba: {  	s0 =	sor.u32 s3, s0;
	s1 =	sshll.u32 s1, $0x11  }
0xbb: {  	s0 =	sor.u32 s1, s0  }
0xbc: {  	s0 =	sadd.s32 $0x8F2B, s0  }
0xbd: {  	[sflag:s0] =	ssyncadd.remote.s32 $0x1  }
0xbe: {  	_ =	sfence.sel $0xFFFF  }
0xbf: {  	[dreg:$0x0] =	wrdreg $0xFFFFFFFF;
	(pc) =	sbr.abs _section_cstart, $3  }
0xc0: {  	[dreg:$0x1] =	wrdreg $0xFFFFFFFF  }
0xc1: {  	_ =	task.clear_ibuf [dreg:s7], $0x2FFFF;
	_ =	strace $0x9FFFFFFF  }
0xc2: {  	(tm) =	ssettm $0x7FFFFFFF  }
0xc3: {  	_ =	shalt  }
tec
execute0_lowered:
.L_overlay_start_1:
0x0: {  	(tag) =	ssettag $0x1  }
0x1: {  	s4 =	rddreg [dreg:$0x0]  }
0x2: {  	s5 =	rddreg [dreg:$0x1];
	s3 =	srdreg.scid  }
0x3: {  	s0 =	stileid.u32;
	s2 =	simm.s32 $0x0;
	s10 =	simm.s32 $0x1  }
0x4: {  	s11 =	simm.s32 $0x2;
	s12 =	simm.s32 $0x3;
	s13 =	simm.s32 $0x4  }
0x5: {  	s15 =	simm.s32 $0x0;
	s6 =	sand.u32 $0x1, s3;
	s30 =	sshll.u32 s0, $0x1  }
0x6: {  	[smem:$0x7FF] =	sst s2;
	s3 =	sadd.s32 $0x400, s5;
	s31 =	sshll.u32 s0, $0x7  }
0x7: {  	s7 =	sor.u32 s6, s30;
	_ =	strace $0x80000047;
	s6 =	ssub.s32 $0x2, s6  }
0x8: {  	s8 =	sshll.u32 s7, $0xD;
	s9 =	sshrl.u32 s6, $0x1;
	s7 =	sshll.u32 s7, $0x4  }
0x9: {  	s5 =	sadd.s32 s8, s5;
	s8 =	sand.u32 $0x600, s31;
	s6 =	ssub.s32 s6, s9  }
0xa: {  	s7 =	sand.u32 $0x70, s7;
	s9 =	simm.s32 $0x5;
	s4 =	sadd.s32 s4, s8  }
0xb: {  	s5 =	sadd.s32 $0xF42800, s5;
	s6 =	smax.u32 s6, $0x1;
	s4 =	sadd.s32 s7, s4  }
.LBB2_1:
0xc: {  	s0 =	simm.s32 $0x80;
	s1 =	simm.s32 $0x400  }
0xd: {  	[tilespmem:s2], [sflag:$0x5] =	stream.strided.gather [hbm4b:s4+s0], $0x200, s1, s0, $0x38;
	[tilespmem:$0x10200] =	vst v63  }
0xe: {  	_ =	swait.ge [sflag:s9], $0x200  }
0xf: {  	[sflag:s9] =	ssyncset.done $0x0  }
0x10: {  	[sflag:s9] =	ssyncadd.s32 $0xFFFFFE00  }
0x11: {  	v0 =	vld [tilespmem:s2+$0x0];
	_ =	sdelay $0x4  }
0x12: {  	v0 =	vshll.u32 v0, $0x4  }
0x13: {  	(v2sf) =	vpush v0, $0x0  }
0x14: {  	(v2sf) =	vpush v0, $0x1  }
0x15: {  	(v2sf) =	vpush v0, $0x2;
	_ =	sdelay $0x1  }
0x16: {  	(v2sf) =	vpush v0, $0x4;
	_ =	sdelay $0x1  }
0x17: {  	(v2sf) =	vpush v0, $0x3  }
0x18: {  	(v2sf) =	vpush v0, $0x5  }
0x19: {  	s17 =	simm.s32 $0x2000;
	s16 =	simm.s32 $0x0;
	s18 =	simm.s32 $0x0;
	(v2sf) =	vpush v0, $0x6  }
.LBB2_2:
0x1a: {  	p0 =	sne.s32 s17, $0x3E000  }
0x1b: {  	s29 =	sadd.s32 $0x280, s16;
	s22 =	sadd.s32 $0x780, s16;
	s19 =	smov.u32 s17  }
0x1c: {  	s17 =	sadd.s32 $0x2000, s17;
	s25 =	sadd.s32 $0x580, s16;
	s20 =	sadd.s32 $0x800, s16;
	(v2sf) =	vpush v0, $0x7  }
0x1d: {  	s28 =	sadd.s32 $0x480, s16;
	s24 =	sadd.s32 $0x600, s16;
	s21 =	sadd.s32 $0x880, s16  }
0x1e: {  	s30 =	sadd.s32 $0x200, s16;
	s31 =	sadd.s32 $0x400, s16;
	(v2sf) =	vpush v0, $0x8  }
0x1f: {  	s0 =	sadd.s32 $0x500, s16;
	s18 =	sadd.s32 $0x10, s18  }
0x20: {  	s1 =	sadd.s32 $0x300, s16;
	s23 =	sadd.s32 $0x700, s16;
	s26 =	spop (v2sf);
	(v2sf) =	vpush v0, $0x9  }
0x21: {  	s7 =	sand.u32 $0x1FFFFFF0, s26;
	s26 =	sadd.s32 $0x680, s16;
	s8 =	spop (v2sf)  }
0x22: {  	s7 =	sadd.s32 s3, s7;
	s8 =	sand.u32 $0x1FFFFFF0, s8;
	s14 =	spop (v2sf);
	(v2sf) =	vpush v0, $0xA  }
0x23: {  	[tilespmem:s30], [sflag:$0x1] =	stream.linear.gather [hbm4b:s7+s2], $0x80, $0x38;
	[tilespmem:$0x10200] =	vst v63  }
0x24: {  	s7 =	sadd.s32 s3, s8;
	s8 =	sadd.s32 $0x380, s16;
	s30 =	spop (v2sf);
	(v2sf) =	vpush v0, $0xB  }
0x25: {  	[tilespmem:s29], [sflag:$0x2] =	stream.linear.gather [hbm4b:s7+s2], $0x80, $0x38;
	[tilespmem:$0x10200] =	vst v63  }
0x26: {  	s7 =	sand.u32 $0x1FFFFFF0, s14;
	s14 =	sand.u32 $0x1FFFFFF0, s30;
	s29 =	spop (v2sf);
	(v2sf) =	vpush v0, $0xC  }
0x27: {  	s7 =	sadd.s32 s3, s7;
	s29 =	sand.u32 $0x1FFFFFF0, s29;
	s30 =	spop (v2sf)  }
0x28: {  	[tilespmem:s1], [sflag:$0x3] =	stream.linear.gather [hbm4b:s7+s2], $0x80, $0x38;
	(v2sf) =	vpush v0, $0xD;
	[tilespmem:$0x10200] =	vst v63  }
0x29: {  	s1 =	sadd.s32 s3, s29;
	s7 =	sand.u32 $0x1FFFFFF0, s30;
	s29 =	spop (v2sf)  }
0x2a: {  	[tilespmem:s8], [sflag:$0x4] =	stream.linear.gather [hbm4b:s1+s2], $0x80, $0x38;
	(v2sf) =	vpush v0, $0xE;
	[tilespmem:$0x10200] =	vst v63  }
0x2b: {  	s1 =	sadd.s32 s3, s14;
	s8 =	sand.u32 $0x1FFFFFF0, s29;
	s14 =	spop (v2sf)  }
0x2c: {  	[tilespmem:s31], [sflag:$0x1] =	stream.linear.gather [hbm4b:s1+s2], $0x80, $0x38;
	(v2sf) =	vpush v0, $0xF;
	[tilespmem:$0x10200] =	vst v63  }
0x2d: {  	s1 =	sadd.s32 s3, s7;
	s7 =	sand.u32 $0x1FFFFFF0, s14;
	s14 =	spop (v2sf)  }
0x2e: {  	[tilespmem:s28], [sflag:$0x2] =	stream.linear.gather [hbm4b:s1+s2], $0x80, $0x38;
	[tilespmem:$0x10200] =	vst v63  }
0x2f: {  	s1 =	sadd.s32 s3, s8;
	s8 =	sand.u32 $0x1FFFFFF0, s14;
	s14 =	spop (v2sf)  }
0x30: {  	[tilespmem:s0], [sflag:$0x3] =	stream.linear.gather [hbm4b:s1+s2], $0x80, $0x38;
	[tilespmem:$0x10200] =	vst v63  }
0x31: {  	s0 =	sadd.s32 s3, s7;
	s1 =	sand.u32 $0x1FFFFFF0, s14;
	s7 =	spop (v2sf)  }
0x32: {  	[tilespmem:s25], [sflag:$0x4] =	stream.linear.gather [hbm4b:s0+s2], $0x80, $0x38;
	[tilespmem:$0x10200] =	vst v63  }
0x33: {  	s0 =	sadd.s32 s3, s8;
	s7 =	sand.u32 $0x1FFFFFF0, s7;
	s8 =	spop (v2sf)  }
0x34: {  	[tilespmem:s24], [sflag:$0x1] =	stream.linear.gather [hbm4b:s0+s2], $0x80, $0x38;
	[tilespmem:$0x10200] =	vst v63  }
0x35: {  	s0 =	sadd.s32 s3, s1;
	s1 =	sand.u32 $0x1FFFFFF0, s8;
	s8 =	spop (v2sf)  }
0x36: {  	[tilespmem:s26], [sflag:$0x2] =	stream.linear.gather [hbm4b:s0+s2], $0x80, $0x38;
	[tilespmem:$0x10200] =	vst v63  }
0x37: {  	s0 =	sadd.s32 s3, s7;
	s7 =	sand.u32 $0x1FFFFFF0, s8;
	s8 =	spop (v2sf)  }
0x38: {  	[tilespmem:s23], [sflag:$0x3] =	stream.linear.gather [hbm4b:s0+s2], $0x80, $0x38;
	[tilespmem:$0x10200] =	vst v63  }
0x39: {  	s0 =	sadd.s32 s3, s1;
	s1 =	sand.u32 $0x1FFFFFF0, s8;
	s8 =	spop (v2sf)  }
0x3a: {  	[tilespmem:s22], [sflag:$0x4] =	stream.linear.gather [hbm4b:s0+s2], $0x80, $0x38;
	[tilespmem:$0x10200] =	vst v63  }
0x3b: {  	s0 =	sadd.s32 s3, s7;
	s7 =	sand.u32 $0x1FFFFFF0, s8;
	s8 =	spop (v2sf)  }
0x3c: {  	[tilespmem:s20], [sflag:$0x1] =	stream.linear.gather [hbm4b:s0+s2], $0x80, $0x38;
	[tilespmem:$0x10200] =	vst v63  }
0x3d: {  	s0 =	sadd.s32 s3, s1;
	s1 =	sand.u32 $0x1FFFFFF0, s8  }
0x3e: {  	[tilespmem:s21], [sflag:$0x2] =	stream.linear.gather [hbm4b:s0+s2], $0x80, $0x38;
	[tilespmem:$0x10200] =	vst v63  }
0x3f: {  	s7 =	sadd.s32 s3, s7;
	s0 =	sadd.s32 $0x900, s16  }
0x40: {  	[tilespmem:s0], [sflag:$0x3] =	stream.linear.gather [hbm4b:s7+s2], $0x80, $0x38;
	[tilespmem:$0x10200] =	vst v63  }
0x41: {  	s1 =	sadd.s32 s3, s1;
	s0 =	sadd.s32 $0x980, s16  }
0x42: {  	[tilespmem:s0], [sflag:$0x4] =	stream.linear.gather [hbm4b:s1+s2], $0x80, $0x38;
	[tilespmem:$0x10200] =	vst v63  }
0x43: {  	v0 =	vld [tilespmem:s18+$0x0];
	_ =	sdelay $0x4  }
0x44: {  	v0 =	vshll.u32 v0, $0x4  }
0x45: {  	(v2sf) =	vpush v0, $0x0  }
0x46: {  	(v2sf) =	vpush v0, $0x1  }
0x47: {  	(v2sf) =	vpush v0, $0x2;
	_ =	sdelay $0x1  }
0x48: {  	(v2sf) =	vpush v0, $0x4  }
.Ltmp0:
0x49: {  	(pc) =	sbr.rel @p0 .LBB2_2-.Ltmp0, $3  }
0x4a: {  	(v2sf) =	vpush v0, $0x3  }
0x4b: {  	(v2sf) =	vpush v0, $0x5;
	_ =	sdelay $0x1  }
0x4c: {  	s16 =	sshra.s32 s19, $0x2;
	(v2sf) =	vpush v0, $0x6  }
0x4d: {  	_ =	sdelay $0x5  }
0x4e: {  	s0 =	spop (v2sf)  }
0x4f: {  	s1 =	spop (v2sf)  }
0x50: {  	s17 =	spop (v2sf)  }
0x51: {  	s20 =	spop (v2sf);
	(v2sf) =	vpush v0, $0x7  }
0x52: {  	s0 =	sand.u32 $0x1FFFFFF0, s0  }
0x53: {  	s7 =	sadd.s32 $0x200, s16;
	s0 =	sadd.s32 s3, s0  }
0x54: {  	[tilespmem:s7], [sflag:$0x1] =	stream.linear.gather [hbm4b:s0+s2], $0x80, $0x38;
	[tilespmem:$0x10200] =	vst v63  }
0x55: {  	s1 =	sand.u32 $0x1FFFFFF0, s1;
	s21 =	spop (v2sf);
	(v2sf) =	vpush v0, $0x8  }
0x56: {  	s14 =	sadd.s32 $0x280, s16;
	s1 =	sadd.s32 s3, s1  }
0x57: {  	[tilespmem:s14], [sflag:$0x2] =	stream.linear.gather [hbm4b:s1+s2], $0x80, $0x38;
	[tilespmem:$0x10200] =	vst v63  }
0x58: {  	s18 =	sand.u32 $0x1FFFFFF0, s17;
	s25 =	spop (v2sf);
	(v2sf) =	vpush v0, $0x9  }
0x59: {  	s19 =	sadd.s32 $0x300, s16;
	s0 =	sadd.s32 s3, s18  }
0x5a: {  	[tilespmem:s19], [sflag:$0x3] =	stream.linear.gather [hbm4b:s0+s2], $0x80, $0x38;
	[tilespmem:$0x10200] =	vst v63  }
0x5b: {  	s0 =	sand.u32 $0x1FFFFFF0, s21;
	s28 =	spop (v2sf);
	(v2sf) =	vpush v0, $0xA  }
0x5c: {  	s22 =	sadd.s32 $0x380, s16;
	s23 =	sand.u32 $0x1FFFFFF0, s20;
	s0 =	sadd.s32 s3, s0  }
0x5d: {  	[tilespmem:s22], [sflag:$0x4] =	stream.linear.gather [hbm4b:s0+s2], $0x80, $0x38;
	[tilespmem:$0x10200] =	vst v63  }
0x5e: {  	s24 =	sadd.s32 $0x400, s16;
	s0 =	sadd.s32 s3, s23  }
0x5f: {  	[tilespmem:s24], [sflag:$0x1] =	stream.linear.gather [hbm4b:s0+s2], $0x80, $0x38;
	[tilespmem:$0x10200] =	vst v63  }
0x60: {  	s0 =	sand.u32 $0x1FFFFFF0, s25;
	s30 =	spop (v2sf);
	(v2sf) =	vpush v0, $0xB  }
0x61: {  	s26 =	sadd.s32 $0x480, s16;
	s0 =	sadd.s32 s3, s0  }
0x62: {  	[tilespmem:s26], [sflag:$0x2] =	stream.linear.gather [hbm4b:s0+s2], $0x80, $0x38;
	[tilespmem:$0x10200] =	vst v63  }
0x63: {  	s0 =	sand.u32 $0x1FFFFFF0, s28  }
0x64: {  	s29 =	sadd.s32 $0x500, s16;
	s0 =	sadd.s32 s3, s0;
	s7 =	spop (v2sf);
	(v2sf) =	vpush v0, $0xC  }
0x65: {  	[tilespmem:s29], [sflag:$0x3] =	stream.linear.gather [hbm4b:s0+s2], $0x80, $0x38;
	[tilespmem:$0x10200] =	vst v63  }
0x66: {  	s0 =	sand.u32 $0x1FFFFFF0, s30  }
0x67: {  	s31 =	sadd.s32 $0x580, s16;
	s0 =	sadd.s32 s3, s0;
	s14 =	spop (v2sf);
	(v2sf) =	vpush v0, $0xD  }
0x68: {  	[tilespmem:s31], [sflag:$0x4] =	stream.linear.gather [hbm4b:s0+s2], $0x80, $0x38;
	[tilespmem:$0x10200] =	vst v63  }
0x69: {  	s0 =	sand.u32 $0x1FFFFFF0, s7  }
0x6a: {  	s8 =	sadd.s32 $0x600, s16;
	s0 =	sadd.s32 s3, s0;
	s18 =	spop (v2sf);
	(v2sf) =	vpush v0, $0xE  }
0x6b: {  	[tilespmem:s8], [sflag:$0x1] =	stream.linear.gather [hbm4b:s0+s2], $0x80, $0x38;
	[tilespmem:$0x10200] =	vst v63  }
0x6c: {  	s0 =	sand.u32 $0x1FFFFFF0, s14  }
0x6d: {  	s17 =	sadd.s32 $0x680, s16;
	s0 =	sadd.s32 s3, s0  }
0x6e: {  	[tilespmem:s17], [sflag:$0x2] =	stream.linear.gather [hbm4b:s0+s2], $0x80, $0x38;
	[tilespmem:$0x10200] =	vst v63  }
0x6f: {  	s0 =	sand.u32 $0x1FFFFFF0, s18;
	s20 =	spop (v2sf);
	(v2sf) =	vpush v0, $0xF  }
0x70: {  	s19 =	sadd.s32 $0x700, s16;
	s0 =	sadd.s32 s3, s0  }
0x71: {  	[tilespmem:s19], [sflag:$0x3] =	stream.linear.gather [hbm4b:s0+s2], $0x80, $0x38;
	[tilespmem:$0x10200] =	vst v63  }
0x72: {  	s0 =	sand.u32 $0x1FFFFFF0, s20  }
0x73: {  	s21 =	sadd.s32 $0x780, s16;
	s0 =	sadd.s32 s3, s0;
	s22 =	spop (v2sf)  }
0x74: {  	[tilespmem:s21], [sflag:$0x4] =	stream.linear.gather [hbm4b:s0+s2], $0x80, $0x38;
	[tilespmem:$0x10200] =	vst v63  }
0x75: {  	s0 =	sand.u32 $0x1FFFFFF0, s22  }
0x76: {  	s23 =	sadd.s32 $0x800, s16;
	s24 =	spop (v2sf);
	s0 =	sadd.s32 s3, s0  }
0x77: {  	[tilespmem:s23], [sflag:$0x1] =	stream.linear.gather [hbm4b:s0+s2], $0x80, $0x38;
	[tilespmem:$0x10200] =	vst v63  }
0x78: {  	s0 =	sand.u32 $0x1FFFFFF0, s24  }
0x79: {  	s25 =	sadd.s32 $0x880, s16;
	s26 =	spop (v2sf);
	s0 =	sadd.s32 s3, s0  }
0x7a: {  	[tilespmem:s25], [sflag:$0x2] =	stream.linear.gather [hbm4b:s0+s2], $0x80, $0x38;
	[tilespmem:$0x10200] =	vst v63  }
0x7b: {  	s0 =	sand.u32 $0x1FFFFFF0, s26  }
0x7c: {  	s28 =	sadd.s32 $0x900, s16;
	s0 =	sadd.s32 s3, s0  }
0x7d: {  	[tilespmem:s28], [sflag:$0x3] =	stream.linear.gather [hbm4b:s0+s2], $0x80, $0x38;
	[tilespmem:$0x10200] =	vst v63  }
0x7e: {  	s29 =	spop (v2sf)  }
0x7f: {  	s0 =	sand.u32 $0x1FFFFFF0, s29  }
0x80: {  	s30 =	sadd.s32 $0x980, s16;
	s0 =	sadd.s32 s3, s0  }
0x81: {  	[tilespmem:s30], [sflag:$0x4] =	stream.linear.gather [hbm4b:s0+s2], $0x80, $0x38;
	[tilespmem:$0x10200] =	vst v63  }
0x82: {  	_ =	swait.ge [sflag:s10], $0x4000  }
0x83: {  	[sflag:s10] =	ssyncset.done $0x0  }
0x84: {  	[sflag:s10] =	ssyncadd.s32 $0xFFFFC000  }
0x85: {  	_ =	swait.ge [sflag:s11], $0x4000  }
0x86: {  	[sflag:s11] =	ssyncset.done $0x0  }
0x87: {  	[sflag:s11] =	ssyncadd.s32 $0xFFFFC000  }
0x88: {  	_ =	swait.ge [sflag:s12], $0x4000  }
0x89: {  	[sflag:s12] =	ssyncset.done $0x0  }
0x8a: {  	[sflag:s12] =	ssyncadd.s32 $0xFFFFC000  }
0x8b: {  	s15 =	sadd.s32 $0x1, s15;
	_ =	swait.ge [sflag:s13], $0x4000  }
0x8c: {  	p0 =	sne.s32 s15, s6;
	[sflag:s13] =	ssyncset.done $0x0  }
.Ltmp1:
0x8d: {  	s31 =	simm.s32 $0x200;
	[sflag:s13] =	ssyncadd.s32 $0xFFFFC000;
	(pc) =	sbr.rel @p0 .LBB2_1-.Ltmp1, $4  }
0x8e: {  	[hbm4b:s5+s2] =	stream.linear.scatter [tilespmem:s31], [sflag:$0x5], $0x10000, $0x38;
	[tilespmem:$0x10200] =	vst v63  }
0x8f: {  	_ =	swait.ge [sflag:s9], $0x10000  }
0x90: {  	[sflag:s9] =	ssyncset.done $0x0  }
0x91: {  	[sflag:s9] =	ssyncadd.s32 $0xFFFF0000  }
0x92: {  	_ =	sfence.sel $0x180000  }
0x93: {  	[bflag:$0x0] =	sbarrier.arrive $0xFFFF  }
0x94: {  	_ =	strace $0x90000047  }
0x95: {  	s0 =	stileid.u32;
	[bflag:$0x2] =	sbarrier.arrive $0xFFFF  }
0x96: {  	p0 =	sne.s32 s0, $0x0;
	s0 =	rddreg [dreg:$0x2]  }
0x97: {  	s0 =	sadd.s32 @!p0 $0x100000, s0  }
0x98: {  	[sflag:s0] =	ssyncadd.tile.s32 @!p0 $0x1;
	_ =	shalt  }
.Lfunc_end2:
_tile_overlayer_lowered:
.L_overlay_start_2:
0x99: {  	(tag) =	ssettag $0x2  }
0x9a: {  	s0 =	rddreg [dreg:$0x0];
	s2 =	stileid.u32  }
0x9b: {  	s1 =	rddreg [dreg:$0x1];
	p0 =	sne.s32 s2, $0x0  }
0x9c: {  	s3 =	rddreg [dreg:$0x2];
	[bflag:$0x3] =	sbarrier.arrive $0xFFFF;
	s2 =	simm.s32 @!p0 $0x1C05  }
0x9d: {  	[timem:s3], [sflag:s2] =	dma.local @!p0 [hbm:s0], s1  }
0x9e: {  	s0 =	simm.s32 @!p0 $0x5  }
0x9f: {  	_ =	swait.ge @!p0 [sflag:s0], s1  }
0xa0: {  	s1 =	ssub.s32 @!p0 $0x0, s1;
	[sflag:s0] =	ssyncset.done @!p0 $0x0  }
0xa1: {  	[sflag:s0] =	ssyncadd.s32 @!p0 s1  }
0xa2: {  	[bflag:$0x3] =	sbarrier.arrive $0xFFFF  }
0xa3: {  	_ =	shalt  }

</sc_bundles>
